<compile_context>
chip_gen: v7x
topology: tpu7x:2x2x1
jax: 0.10.2.dev20260603
libtpu: 0.0.44.dev20260713+nightly
codegen_flags: <defaults>
</compile_context>

<pallas_src>
import functools
import math

import jax
import jax.numpy as jnp
from jax import lax
from jax.experimental import pallas as pl
from jax.experimental.pallas import tpu as pltpu
from jax.experimental.pallas import tpu_sc as plsc

N = 2048
H = 768
F = 3072
E = 8
CAP = 256
NSLOT = 2 * N
NW = 32
RPW = NSLOT // NW
_SQRT2 = math.sqrt(2.0)


def _router_body(x_ref, rw_ref, rb_ref, logits_ref, gtop_ref, topk_ref,
                 dest_ref, meta_ref):
    x = x_ref[...]
    logits = jnp.dot(x, rw_ref[...], preferred_element_type=jnp.float32)
    logits = logits + rb_ref[...]
    logits_ref[...] = logits
    m = jnp.max(logits, axis=-1, keepdims=True)
    ex = jnp.exp(logits - m)
    g = ex / jnp.sum(ex, axis=-1, keepdims=True)

    lane = lax.broadcasted_iota(jnp.int32, (N, E), 1)
    m1 = jnp.max(g, axis=-1, keepdims=True)
    top1 = jnp.min(jnp.where(g == m1, lane, E), axis=-1, keepdims=True)
    oh1 = lane == top1
    g2 = jnp.where(oh1, -jnp.inf, g)
    m2 = jnp.max(g2, axis=-1, keepdims=True)
    top2 = jnp.min(jnp.where(g2 == m2, lane, E), axis=-1, keepdims=True)
    oh2 = lane == top2

    hard = (oh1 | oh2).astype(jnp.float32)
    gt = g * hard
    gt = gt / (jnp.sum(gt, axis=-1, keepdims=True) + 1e-9)
    gtop_ref[...] = gt
    topk_ref[...] = jnp.concatenate([top1, top2], axis=1)

    col = lax.broadcasted_iota(jnp.int32, (CAP, N), 1)

    def cum_excl(cols):
        outs = []
        for i in range(N // CAP):
            row = lax.broadcasted_iota(jnp.int32, (CAP, N), 0) + (i * CAP)
            lb = (col < row).astype(jnp.float32)
            outs.append(jnp.dot(lb, cols, preferred_element_type=jnp.float32))
        return jnp.concatenate(outs, axis=0)

    prim = oh1.astype(jnp.float32)
    counts = jnp.sum(prim, axis=0, keepdims=True)
    used = jnp.minimum(counts, float(CAP))
    free = float(CAP) - used

    cum_p = cum_excl(prim)
    rank_p = jnp.sum(cum_p * prim, axis=-1, keepdims=True)
    keep = rank_p < float(CAP)
    overflow = jnp.logical_not(keep)

    sec = oh2.astype(jnp.float32) * overflow.astype(jnp.float32)
    cum_s = cum_excl(sec)
    rank_s = jnp.sum(cum_s * oh2.astype(jnp.float32), axis=-1, keepdims=True)
    free_sec = jnp.sum(oh2.astype(jnp.float32) * free, axis=-1, keepdims=True)
    used_sec = jnp.sum(oh2.astype(jnp.float32) * used, axis=-1, keepdims=True)
    take2 = overflow & (rank_s < free_sec)

    fb = (overflow & jnp.logical_not(take2)).astype(jnp.float32)
    cum_fb = cum_excl(fb)

    dest = jnp.where(
        keep, top1 * CAP + rank_p.astype(jnp.int32),
        jnp.where(take2,
                  top2 * CAP + (used_sec + rank_s).astype(jnp.int32),
                  N + cum_fb.astype(jnp.int32)))
    dest_ref[...] = dest

    cnt2 = jnp.sum(sec * take2.astype(jnp.float32), axis=0, keepdims=True)
    util = (used + cnt2) / float(N)
    p_mean = jnp.mean(gt, axis=0, keepdims=True)
    fb_cnt = jnp.sum(fb, axis=0, keepdims=True)
    fb_row = jnp.broadcast_to(fb_cnt, (1, E))
    meta_ref[...] = jnp.concatenate(
        [util, p_mean, fb_row, jnp.zeros((5, E), jnp.float32)], axis=0)


def _router_call(x_f, router_w, router_b):
    return pl.pallas_call(
        _router_body,
        out_shape=[
            jax.ShapeDtypeStruct((N, E), jnp.float32),
            jax.ShapeDtypeStruct((N, E), jnp.float32),
            jax.ShapeDtypeStruct((N, 2), jnp.int32),
            jax.ShapeDtypeStruct((N, 1), jnp.int32),
            jax.ShapeDtypeStruct((8, E), jnp.float32),
        ],
    )(x_f, router_w, router_b)


def _dispatch_body(cnt_hbm, dest_hbm, x_hbm, disp_out, xd_out,
                   cnt_v, dest_v, loc_v, gidx_v, rows_v, sem):
    c = lax.axis_index("c")
    s = lax.axis_index("s")
    wid = s * 2 + c
    base = pl.multiple_of(wid * RPW, RPW)

    pltpu.sync_copy(cnt_hbm, cnt_v)
    fb_cnt = jnp.max(cnt_v[...])
    live = (wid < NW // 2) | (base - N < fb_cnt)

    @pl.when(live)
    def _():
        pltpu.sync_copy(dest_hbm, dest_v)

        def init_body(i, carry):
            loc_v[pl.ds(i * 16, 16)] = jnp.full((16,), N, jnp.int32)
            return carry

        lax.fori_loop(0, (RPW + 16) // 16, init_body, 0)

        lanes = lax.iota(jnp.int32, 16)

        def scat_body(i, carry):
            d = dest_v[pl.ds(i * 16, 16)] - base
            ok = (d >= 0) & (d < RPW)
            d = jnp.where(ok, d, RPW + lanes)
            toks = jnp.where(ok, lanes + i * 16, N)
            plsc.store_scatter(loc_v, [d], toks)
            return carry

        lax.fori_loop(0, N // 16, scat_body, 0)

        pltpu.sync_copy(loc_v.at[pl.ds(0, RPW)], disp_out.at[pl.ds(base, RPW)])

        def san_body(i, carry):
            v = loc_v[pl.ds(i * 16, 16)]
            gidx_v[pl.ds(i * 16, 16)] = jnp.where(v >= N, 0, v)
            return carry

        lax.fori_loop(0, RPW // 16, san_body, 0)

        pltpu.async_copy(x_hbm.at[gidx_v], rows_v, sem).wait()
        pltpu.sync_copy(rows_v, xd_out.at[pl.ds(base, RPW)])


def _dispatch_call(cnt16, dest, x_f):
    mesh = plsc.VectorSubcoreMesh(core_axis_name="c", subcore_axis_name="s")
    fn = functools.partial(
        pl.kernel,
        mesh=mesh,
        out_type=[
            jax.ShapeDtypeStruct((NSLOT,), jnp.int32),
            jax.ShapeDtypeStruct((NSLOT, H), jnp.float32),
        ],
        scratch_types=[
            pltpu.VMEM((16,), jnp.int32),
            pltpu.VMEM((N,), jnp.int32),
            pltpu.VMEM((RPW + 16,), jnp.int32),
            pltpu.VMEM((RPW,), jnp.int32),
            pltpu.VMEM((RPW, H), jnp.float32),
            pltpu.SemaphoreType.DMA,
        ],
        compiler_params=pltpu.CompilerParams(needs_layout_passes=False),
    )(_dispatch_body)
    return fn(cnt16, dest, x_f)


def _gelu(h):
    return 0.5 * h * (1.0 + lax.erf(h / _SQRT2))


def _ffn_body(cnt_ref, x_ref, w1_ref, b1_ref, w2_ref, b2_ref,
              sw1_ref, sb1_ref, sw2_ref, sb2_ref, o_ref):
    i = pl.program_id(0)
    j = pl.program_id(1)
    is_expert = i < E
    live = is_expert | ((i - E) * CAP < cnt_ref[0, 0])

    def half(w1b, b1b, w2b, b2b):
        h = jnp.dot(x_ref[...], w1b, preferred_element_type=jnp.float32)
        h = _gelu(h + b1b)
        o = jnp.dot(h, w2b, preferred_element_type=jnp.float32)

        @pl.when(j == 0)
        def _():
            o_ref[...] = o + b2b

        @pl.when(j == 1)
        def _():
            o_ref[...] += o

    @pl.when(live & is_expert)
    def _():
        half(w1_ref[0], b1_ref[0], w2_ref[0], b2_ref[0])

    @pl.when(live & jnp.logical_not(is_expert))
    def _():
        half(sw1_ref[...], sb1_ref[...], sw2_ref[...], sb2_ref[...])


def _ffn_call(cnt, x_disp, w1, b1, w2, b2, sw1, sb1, sw2, sb2):
    ei = lambda i, j: jnp.minimum(i, E - 1)
    return pl.pallas_call(
        _ffn_body,
        grid=(2 * E, 2),
        in_specs=[
            pl.BlockSpec(memory_space=pltpu.SMEM),
            pl.BlockSpec((CAP, H), lambda i, j: (i, 0)),
            pl.BlockSpec((1, H, F // 2), lambda i, j: (ei(i, j), 0, j)),
            pl.BlockSpec((1, 1, F // 2), lambda i, j: (ei(i, j), 0, j)),
            pl.BlockSpec((1, F // 2, H), lambda i, j: (ei(i, j), j, 0)),
            pl.BlockSpec((1, 1, H), lambda i, j: (ei(i, j), 0, 0)),
            pl.BlockSpec((H, F // 2), lambda i, j: (0, j)),
            pl.BlockSpec((1, F // 2), lambda i, j: (0, j)),
            pl.BlockSpec((F // 2, H), lambda i, j: (j, 0)),
            pl.BlockSpec((1, H), lambda i, j: (0, 0)),
        ],
        out_specs=pl.BlockSpec((CAP, H), lambda i, j: (i, 0)),
        out_shape=jax.ShapeDtypeStruct((NSLOT, H), jnp.float32),
    )(cnt, x_disp, w1.reshape(E, H, F), b1.reshape(E, 1, F),
      w2.reshape(E, F, H), b2.reshape(E, 1, H), sw1, sb1, sw2, sb2)


YPAD = N + 8


def _combine_body(cnt_hbm, disp_hbm, o_hbm, y_hbm,
                  cnt_v, idx_v, rows_v, sem):
    c = lax.axis_index("c")
    s = lax.axis_index("s")
    wid = s * 2 + c
    base = pl.multiple_of(wid * RPW, RPW)

    pltpu.sync_copy(cnt_hbm, cnt_v)
    fb_cnt = jnp.max(cnt_v[...])
    live = (wid < NW // 2) | (base - N < fb_cnt)

    @pl.when(live)
    def _():
        pltpu.sync_copy(disp_hbm.at[pl.ds(base, RPW)], idx_v)
        pltpu.sync_copy(o_hbm.at[pl.ds(base, RPW)], rows_v)
        pltpu.async_copy(rows_v, y_hbm.at[idx_v], sem).wait()


def _combine_call(cnt16, disp, o_all):
    mesh = plsc.VectorSubcoreMesh(core_axis_name="c", subcore_axis_name="s")
    fn = functools.partial(
        pl.kernel,
        mesh=mesh,
        out_type=jax.ShapeDtypeStruct((YPAD, H), jnp.float32),
        scratch_types=[
            pltpu.VMEM((16,), jnp.int32),
            pltpu.VMEM((RPW,), jnp.int32),
            pltpu.VMEM((RPW, H), jnp.float32),
            pltpu.SemaphoreType.DMA,
        ],
        compiler_params=pltpu.CompilerParams(needs_layout_passes=False),
    )(_combine_body)
    return fn(cnt16, disp, o_all)


def kernel(x, router_w, router_b, w1, b1, w2, b2, sw1, sb1, sw2, sb2):
    x_f = x.reshape(N, H)
    logits, gtop, topk, dest, meta = _router_call(
        x_f, router_w, router_b.reshape(1, E))
    cnt = meta[2:3, :].astype(jnp.int32)
    cnt16 = jnp.broadcast_to(cnt[0, 0], (16,))
    disp, x_disp = _dispatch_call(cnt16, dest.reshape(N), x_f)
    o_all = _ffn_call(cnt, x_disp, w1, b1, w2, b2,
                      sw1, sb1.reshape(1, F), sw2, sb2.reshape(1, H))
    y_pad = _combine_call(cnt16, disp, o_all)
    y = y_pad[:N].reshape(x.shape)
    util = meta[0]
    p_mean = meta[1]
    return y, util, util, p_mean, logits, gtop, topk

# --- scband reference (transcript-rebuilt; emitter-appended) ---
"""Pipeline reference for scband-mo-elayer-10402410791603 (READ-ONLY COPY).

The authoritative reference and input builder live on the scoring server;
editing this copy changes nothing except your own understanding.
"""

import jax, jax.numpy as jnp
import numpy as np

HIDDEN = 768
FFN = 3072
E = 8
TOPK = 2
TAU = 1.0
CAP_F = 1.0  # capacity_factor_eval (module assumed in eval mode: no dropout, no router noise)


def setup_inputs(seed: int = 0):
    key = jax.random.key(seed)
    ks = jax.random.split(key, 8)
    B, T = 1, 2048
    s = 0.02
    x = jax.random.normal(ks[0], (B, T, HIDDEN), dtype=jnp.float32)
    router_w = jax.random.normal(ks[1], (HIDDEN, E), dtype=jnp.float32) * s
    router_b = jnp.zeros((E,), dtype=jnp.float32)
    w1 = jax.random.normal(ks[2], (E, HIDDEN, FFN), dtype=jnp.float32) * s
    b1 = jnp.zeros((E, FFN), dtype=jnp.float32)
    w2 = jax.random.normal(ks[3], (E, FFN, HIDDEN), dtype=jnp.float32) * s
    b2 = jnp.zeros((E, HIDDEN), dtype=jnp.float32)
    sw1 = jax.random.normal(ks[4], (HIDDEN, FFN), dtype=jnp.float32) * s
    sb1 = jnp.zeros((FFN,), dtype=jnp.float32)
    sw2 = jax.random.normal(ks[5], (FFN, HIDDEN), dtype=jnp.float32) * s
    sb2 = jnp.zeros((HIDDEN,), dtype=jnp.float32)
    return {"x": x, "router_w": router_w, "router_b": router_b,
            "w1": w1, "b1": b1, "w2": w2, "b2": b2,
            "sw1": sw1, "sb1": sb1, "sw2": sw2, "sb2": sb2}


def _moe_forward(x, router_w, router_b, w1, b1, w2, b2, sw1, sb1, sw2, sb2):
    B, T, H = x.shape
    N = B * T
    x_f = x.reshape(N, H)
    # ---- TopKRouter (eval: no dropout, no noise) ----
    logits = x_f @ router_w + router_b
    g_soft = jax.nn.softmax(logits / TAU, axis=-1)
    _, topk_idx = jax.lax.top_k(g_soft, TOPK)
    hard = jnp.zeros_like(g_soft).at[jnp.arange(N)[:, None], topk_idx].set(1.0)
    # straight-through mask: hard.detach() - g_soft.detach() + g_soft
    mask = jax.lax.stop_gradient(hard - g_soft) + g_soft
    g_top = g_soft * jax.lax.stop_gradient((mask > 0).astype(g_soft.dtype))
    g_top = g_top / (g_top.sum(axis=-1, keepdims=True) + 1e-9)
    # ---- capacity-constrained greedy assignment (first-come-first-served in token order) ----
    cap = max(1, int(N / E * CAP_F))
    primary = topk_idx[:, 0]
    prim_oh = jax.nn.one_hot(primary, E, dtype=jnp.int32)
    rank_p = (jnp.cumsum(prim_oh, axis=0) - 1)[jnp.arange(N), primary]
    keep_primary = rank_p < cap
    assign = jnp.where(keep_primary, primary, -1)
    used = jnp.minimum(prim_oh.sum(axis=0), cap)
    overflow = ~keep_primary
    # second-choice pass (use_second_choice=True, top_k=2)
    second = topk_idx[:, 1]
    free = cap - used
    sec_oh = jax.nn.one_hot(second, E, dtype=jnp.int32) * overflow[:, None].astype(jnp.int32)
    rank_s = (jnp.cumsum(sec_oh, axis=0) - 1)[jnp.arange(N), second]
    take_second = overflow & (rank_s < free[second])
    assign = jnp.where(take_second, second, assign)
    overflow = overflow & (~take_second)
    use_fallback = overflow  # self_ffn exists (fallback_self_ffn=True, switch_mode=False)
    # ---- dense all-expert FFN: expert_stack[N, E, H] ----
    h = jnp.einsum('nh,ehf->enf', x_f, w1) + b1[:, None, :]
    h = jax.nn.gelu(h, approximate=False)
    eo = jnp.einsum('enf,efh->enh', h, w2) + b2[:, None, :]
    expert_stack = jnp.transpose(eo, (1, 0, 2))
    valid = assign >= 0
    one_hot_assign = jax.nn.one_hot(jnp.where(valid, assign, 0), E, dtype=expert_stack.dtype) * valid[:, None].astype(expert_stack.dtype)
    y = (expert_stack * one_hot_assign[:, :, None]).sum(axis=1)
    # fallback self-FFN for dropped tokens
    y_fb = jax.nn.gelu(x_f @ sw1 + sb1, approximate=False) @ sw2 + sb2
    y = jnp.where(use_fallback[:, None], y_fb, y)
    y = y.reshape(B, T, H)
    util = one_hot_assign.mean(axis=0)
    f = jax.lax.stop_gradient(util)
    P = g_top.mean(axis=0)
    return y, util, f, P, logits, g_top, topk_idx


def reference(x, router_w, router_b, w1, b1, w2, b2, sw1, sb1, sw2, sb2):
    return _moe_forward(x, router_w, router_b, w1, b1, w2, b2, sw1, sb1, sw2, sb2)

if __name__ == "__main__":
    import jax
    _d = setup_inputs()
    print(jax.jit(kernel)(*tuple(_d.values())))

</pallas_src>

<mosaic_0001>
#map = affine_map<(d0, d1) -> (0)>
#map1 = affine_map<(d0, d1) -> (0, 0)>
module attributes {stable_mosaic.version = 14 : i64} {
  func.func @_combine_body(%arg0: i32, %arg1: i32, %arg2: memref<16xi32, #tpu.memory_space<hbm>>, %arg3: memref<4096xi32, #tpu.memory_space<hbm>>, %arg4: memref<4096x768xf32, #tpu.memory_space<hbm>>, %arg5: memref<2056x768xf32, #tpu.memory_space<hbm>>, %arg6: memref<16xi32, #tpu.memory_space<vmem>>, %arg7: memref<128xi32, #tpu.memory_space<vmem>>, %arg8: memref<128x768xf32, #tpu.memory_space<vmem>>, %arg9: memref<!tpu.dma_semaphore, #tpu.memory_space<semaphore_mem>>) attributes {dimension_semantics = [#tpu.dimension_semantics<core_parallel>, #tpu.dimension_semantics<subcore_parallel>], iteration_bounds = array<i64: 2, 16>, scalar_prefetch = 0 : i64, scratch_operands = 4 : i64, tpu.core_type = #tpu.core_type<sc_vector_subcore>, window_params = [{transform_indices = #map}, {transform_indices = #map}, {transform_indices = #map1}, {transform_indices = #map1}]} {
    %mul3A = arith.constant 2 : i32
    %mul3A_0 = arith.muli %arg1, %mul3A : i32
    %add3A = arith.addi %mul3A_0, %arg0 : i32
    %mul3A_1 = arith.constant 128 : i32
    %mul3A_2 = arith.muli %add3A, %mul3A_1 : i32
    %multiple_of3A = tpu.assume_multiple %mul3A_2, 128 : i32
    "tpu.region"() ({
      %run_scoped3A = tpu.sem_alloc : memref<!tpu.dma_semaphore, #tpu.memory_space<semaphore_mem>>
      tpu.enqueue_dma source(%arg2 : memref<16xi32, #tpu.memory_space<hbm>>) target(%arg6 : memref<16xi32, #tpu.memory_space<vmem>>) target_semaphore(%run_scoped3A : memref<!tpu.dma_semaphore, #tpu.memory_space<semaphore_mem>>)
      tpu.wait_dma2 semaphore(%run_scoped3A : memref<!tpu.dma_semaphore, #tpu.memory_space<semaphore_mem>>) src(%arg2 : memref<16xi32, #tpu.memory_space<hbm>>) dst(%arg6 : memref<16xi32, #tpu.memory_space<vmem>>)
      tpu.yield
    }) : () -> ()
    %get3A = arith.constant 0 : index
    %get3A_3 = tpu.vector_load %arg6[%get3A] {strides = array<i32>} : memref<16xi32, #tpu.memory_space<vmem>>, vector<16xi32>,
    %reduce_max3A = arith.constant true
    %reduce_max3A_4 = vector.broadcast %reduce_max3A : i1 to vector<16xi1>
    %reduce_max3A_5 = arith.constant -2147483648 : i32
    %reduce_max3A_6 = vector.broadcast %reduce_max3A_5 : i32 to vector<16xi32>
    %reduce_max3A_7 = arith.xori %get3A_3, %reduce_max3A_6 : vector<16xi32>
    %reduce_max3A_8 = tpu.scan <max>, %reduce_max3A_7 masked %reduce_max3A_4 : vector<16xi32>, vector<16xi1> -> vector<16xi32>
    %reduce_max3A_9 = arith.xori %reduce_max3A_8, %reduce_max3A_6 : vector<16xi32>
    %reduce_max3A_10 = vector.extract %reduce_max3A_9[15] : i32 from vector<16xi32>
    %lt3A = arith.constant 16 : i32
    %lt3A_11 = arith.cmpi slt, %add3A, %lt3A : i32
    %sub3A = arith.constant 2048 : i32
    %sub3A_12 = arith.subi %multiple_of3A, %sub3A : i32
    %lt3A_13 = arith.cmpi slt, %sub3A_12, %reduce_max3A_10 : i32
    %or3A = arith.ori %lt3A_11, %lt3A_13 : i1
    %convert_element_type3A = arith.extui %or3A : i1 to i32
    %cond3A = arith.constant 0 : i32
    %cond3A_14 = arith.cmpi ne, %convert_element_type3A, %cond3A : i32
    scf.if %cond3A_14 {
      "tpu.region"() ({
        %run_scoped3A = tpu.sem_alloc : memref<!tpu.dma_semaphore, #tpu.memory_space<semaphore_mem>>
        %dma_start3A_19 = tpu.memref_slice %arg3[%multiple_of3A] : memref<4096xi32, #tpu.memory_space<hbm>> -> memref<128xi32, #tpu.memory_space<hbm>>
        %dma_start3A_20 = tpu.memref_slice %arg3[%multiple_of3A] : memref<4096xi32, #tpu.memory_space<hbm>> -> memref<128xi32, #tpu.memory_space<hbm>>
        tpu.enqueue_dma source(%dma_start3A_20 : memref<128xi32, #tpu.memory_space<hbm>>) target(%arg7 : memref<128xi32, #tpu.memory_space<vmem>>) target_semaphore(%run_scoped3A : memref<!tpu.dma_semaphore, #tpu.memory_space<semaphore_mem>>)
        %dma_wait3A_21 = tpu.memref_slice %arg3[%multiple_of3A] : memref<4096xi32, #tpu.memory_space<hbm>> -> memref<128xi32, #tpu.memory_space<hbm>>
        %dma_wait3A_22 = tpu.memref_slice %arg3[%multiple_of3A] : memref<4096xi32, #tpu.memory_space<hbm>> -> memref<128xi32, #tpu.memory_space<hbm>>
        tpu.wait_dma2 semaphore(%run_scoped3A : memref<!tpu.dma_semaphore, #tpu.memory_space<semaphore_mem>>) src(%dma_wait3A_22 : memref<128xi32, #tpu.memory_space<hbm>>) dst(%arg7 : memref<128xi32, #tpu.memory_space<vmem>>)
        tpu.yield
      }) : () -> ()
      "tpu.region"() ({
        %run_scoped3A = tpu.sem_alloc : memref<!tpu.dma_semaphore, #tpu.memory_space<semaphore_mem>>
        %dma_start3A_19 = arith.constant 0 : i32
        %dma_start3A_20 = tpu.memref_slice %arg4[%multiple_of3A, %dma_start3A_19] : memref<4096x768xf32, #tpu.memory_space<hbm>> -> memref<128x768xf32, #tpu.memory_space<hbm>>
        %dma_start3A_21 = arith.constant 0 : i32
        %dma_start3A_22 = tpu.memref_slice %arg4[%multiple_of3A, %dma_start3A_21] : memref<4096x768xf32, #tpu.memory_space<hbm>> -> memref<128x768xf32, #tpu.memory_space<hbm>>
        tpu.enqueue_dma source(%dma_start3A_22 : memref<128x768xf32, #tpu.memory_space<hbm>>) target(%arg8 : memref<128x768xf32, #tpu.memory_space<vmem>>) target_semaphore(%run_scoped3A : memref<!tpu.dma_semaphore, #tpu.memory_space<semaphore_mem>>)
        %dma_wait3A_23 = arith.constant 0 : i32
        %dma_wait3A_24 = tpu.memref_slice %arg4[%multiple_of3A, %dma_wait3A_23] : memref<4096x768xf32, #tpu.memory_space<hbm>> -> memref<128x768xf32, #tpu.memory_space<hbm>>
        %dma_wait3A_25 = arith.constant 0 : i32
        %dma_wait3A_26 = tpu.memref_slice %arg4[%multiple_of3A, %dma_wait3A_25] : memref<4096x768xf32, #tpu.memory_space<hbm>> -> memref<128x768xf32, #tpu.memory_space<hbm>>
        tpu.wait_dma2 semaphore(%run_scoped3A : memref<!tpu.dma_semaphore, #tpu.memory_space<semaphore_mem>>) src(%dma_wait3A_26 : memref<128x768xf32, #tpu.memory_space<hbm>>) dst(%arg8 : memref<128x768xf32, #tpu.memory_space<vmem>>)
        tpu.yield
      }) : () -> ()
      %dma_start3A = arith.constant 0 : i32
      %dma_start3A_15 = arith.constant 0 : i32
      %dma_start3A_16 = tpu.memref_slice %arg5[%dma_start3A, %dma_start3A_15] : memref<2056x768xf32, #tpu.memory_space<hbm>> -> memref<2056x768xf32, #tpu.memory_space<hbm>>
      tpu.enqueue_indirect_dma source(%arg8 : memref<128x768xf32, #tpu.memory_space<vmem>>) target(%dma_start3A_16 : memref<2056x768xf32, #tpu.memory_space<hbm>>) offsets(%arg7 : memref<128xi32, #tpu.memory_space<vmem>>) semaphore(%arg9 : memref<!tpu.dma_semaphore, #tpu.memory_space<semaphore_mem>>)
      %dma_wait3A = arith.constant 0 : i32
      %dma_wait3A_17 = arith.constant 0 : i32
      %dma_wait3A_18 = tpu.memref_slice %arg5[%dma_wait3A, %dma_wait3A_17] : memref<2056x768xf32, #tpu.memory_space<hbm>> -> memref<2056x768xf32, #tpu.memory_space<hbm>>
      tpu.wait_indirect_dma semaphore(%arg9 : memref<!tpu.dma_semaphore, #tpu.memory_space<semaphore_mem>>) src(%arg8 : memref<128x768xf32, #tpu.memory_space<vmem>>) dst(%dma_wait3A_18 : memref<2056x768xf32, #tpu.memory_space<hbm>>)
    } else {
    }
    return
  }
}

#map = affine_map<(d0, d1) -> (0)>
#map1 = affine_map<(d0, d1) -> (0, 0)>
module attributes {stable_mosaic.version = 14 : i64} {
  func.func @_dispatch_body(%arg0: i32, %arg1: i32, %arg2: memref<16xi32, #tpu.memory_space<hbm>>, %arg3: memref<2048xi32, #tpu.memory_space<hbm>>, %arg4: memref<2048x768xf32, #tpu.memory_space<hbm>>, %arg5: memref<4096xi32, #tpu.memory_space<hbm>>, %arg6: memref<4096x768xf32, #tpu.memory_space<hbm>>, %arg7: memref<16xi32, #tpu.memory_space<vmem>>, %arg8: memref<2048xi32, #tpu.memory_space<vmem>>, %arg9: memref<144xi32, #tpu.memory_space<vmem>>, %arg10: memref<128xi32, #tpu.memory_space<vmem>>, %arg11: memref<128x768xf32, #tpu.memory_space<vmem>>, %arg12: memref<!tpu.dma_semaphore, #tpu.memory_space<semaphore_mem>>) attributes {dimension_semantics = [#tpu.dimension_semantics<core_parallel>, #tpu.dimension_semantics<subcore_parallel>], iteration_bounds = array<i64: 2, 16>, scalar_prefetch = 0 : i64, scratch_operands = 6 : i64, tpu.core_type = #tpu.core_type<sc_vector_subcore>, window_params = [{transform_indices = #map}, {transform_indices = #map}, {transform_indices = #map1}, {transform_indices = #map}, {transform_indices = #map1}]} {
    %mul3A = arith.constant 2 : i32
    %mul3A_0 = arith.muli %arg1, %mul3A : i32
    %add3A = arith.addi %mul3A_0, %arg0 : i32
    %mul3A_1 = arith.constant 128 : i32
    %mul3A_2 = arith.muli %add3A, %mul3A_1 : i32
    %multiple_of3A = tpu.assume_multiple %mul3A_2, 128 : i32
    "tpu.region"() ({
      %run_scoped3A = tpu.sem_alloc : memref<!tpu.dma_semaphore, #tpu.memory_space<semaphore_mem>>
      tpu.enqueue_dma source(%arg2 : memref<16xi32, #tpu.memory_space<hbm>>) target(%arg7 : memref<16xi32, #tpu.memory_space<vmem>>) target_semaphore(%run_scoped3A : memref<!tpu.dma_semaphore, #tpu.memory_space<semaphore_mem>>)
      tpu.wait_dma2 semaphore(%run_scoped3A : memref<!tpu.dma_semaphore, #tpu.memory_space<semaphore_mem>>) src(%arg2 : memref<16xi32, #tpu.memory_space<hbm>>) dst(%arg7 : memref<16xi32, #tpu.memory_space<vmem>>)
      tpu.yield
    }) : () -> ()
    %get3A = arith.constant 0 : index
    %get3A_3 = tpu.vector_load %arg7[%get3A] {strides = array<i32>} : memref<16xi32, #tpu.memory_space<vmem>>, vector<16xi32>,
    %reduce_max3A = arith.constant true
    %reduce_max3A_4 = vector.broadcast %reduce_max3A : i1 to vector<16xi1>
    %reduce_max3A_5 = arith.constant -2147483648 : i32
    %reduce_max3A_6 = vector.broadcast %reduce_max3A_5 : i32 to vector<16xi32>
    %reduce_max3A_7 = arith.xori %get3A_3, %reduce_max3A_6 : vector<16xi32>
    %reduce_max3A_8 = tpu.scan <max>, %reduce_max3A_7 masked %reduce_max3A_4 : vector<16xi32>, vector<16xi1> -> vector<16xi32>
    %reduce_max3A_9 = arith.xori %reduce_max3A_8, %reduce_max3A_6 : vector<16xi32>
    %reduce_max3A_10 = vector.extract %reduce_max3A_9[15] : i32 from vector<16xi32>
    %lt3A = arith.constant 16 : i32
    %lt3A_11 = arith.cmpi slt, %add3A, %lt3A : i32
    %sub3A = arith.constant 2048 : i32
    %sub3A_12 = arith.subi %multiple_of3A, %sub3A : i32
    %lt3A_13 = arith.cmpi slt, %sub3A_12, %reduce_max3A_10 : i32
    %or3A = arith.ori %lt3A_11, %lt3A_13 : i1
    %convert_element_type3A = arith.extui %or3A : i1 to i32
    %cond3A = arith.constant 0 : i32
    %cond3A_14 = arith.cmpi ne, %convert_element_type3A, %cond3A : i32
    scf.if %cond3A_14 {
      "tpu.region"() ({
        %run_scoped3A = tpu.sem_alloc : memref<!tpu.dma_semaphore, #tpu.memory_space<semaphore_mem>>
        tpu.enqueue_dma source(%arg3 : memref<2048xi32, #tpu.memory_space<hbm>>) target(%arg8 : memref<2048xi32, #tpu.memory_space<vmem>>) target_semaphore(%run_scoped3A : memref<!tpu.dma_semaphore, #tpu.memory_space<semaphore_mem>>)
        tpu.wait_dma2 semaphore(%run_scoped3A : memref<!tpu.dma_semaphore, #tpu.memory_space<semaphore_mem>>) src(%arg3 : memref<2048xi32, #tpu.memory_space<hbm>>) dst(%arg8 : memref<2048xi32, #tpu.memory_space<vmem>>)
        tpu.yield
      }) : () -> ()
      %scan3A = arith.constant 0 : i32
      %scan3A_15 = arith.constant 0 : i32
      %scan3A_16 = arith.constant 9 : i32
      %scan3A_17 = arith.addi %scan3A_15, %scan3A_16 : i32
      %scan3A_18 = arith.constant 1 : i32
      scf.for %scan3A_36 = %scan3A_15 to %scan3A_17 step %scan3A_18  : i32 {
        %broadcast_in_dim3A = arith.constant 2048 : i32
        %broadcast_in_dim3A_37 = vector.broadcast %broadcast_in_dim3A : i32 to vector<16xi32>
        %mul3A_38 = arith.constant 16 : i32
        %mul3A_39 = arith.muli %scan3A_36, %mul3A_38 : i32
        %swap3A = arith.index_cast %mul3A_39 : i32 to index
        %swap3A_40 = tpu.vector_load %arg9[%swap3A] {strides = array<i32>} : memref<144xi32, #tpu.memory_space<vmem>>, vector<16xi32>,
        tpu.vector_store %arg9[%swap3A], %broadcast_in_dim3A_37 {strides = array<i32>} : memref<144xi32, #tpu.memory_space<vmem>>, vector<16xi32>,
      }
      %scan3A_19 = arith.constant 9 : i32
      %iota3A = tpu.iota {dimensions = array<i32: 0>} : vector<16xi32>
      %scan3A_20 = arith.constant 0 : i32
      %scan3A_21 = arith.constant 0 : i32
      %scan3A_22 = arith.constant 128 : i32
      %scan3A_23 = arith.addi %scan3A_21, %scan3A_22 : i32
      %scan3A_24 = arith.constant 1 : i32
      scf.for %scan3A_36 = %scan3A_21 to %scan3A_23 step %scan3A_24  : i32 {
        %mul3A_37 = arith.constant 16 : i32
        %mul3A_38 = arith.muli %scan3A_36, %mul3A_37 : i32
        %get3A_39 = arith.index_cast %mul3A_38 : i32 to index
        %get3A_40 = tpu.vector_load %arg8[%get3A_39] {strides = array<i32>} : memref<2048xi32, #tpu.memory_space<vmem>>, vector<16xi32>,
        %sub3A_41 = vector.broadcast %multiple_of3A : i32 to vector<16xi32>
        %sub3A_42 = arith.subi %get3A_40, %sub3A_41 : vector<16xi32>
        %ge3A = arith.constant 0 : i32
        %ge3A_43 = vector.broadcast %ge3A : i32 to vector<16xi32>
        %ge3A_44 = arith.cmpi sge, %sub3A_42, %ge3A_43 : vector<16xi32>
        %lt3A_45 = arith.constant 128 : i32
        %lt3A_46 = vector.broadcast %lt3A_45 : i32 to vector<16xi32>
        %lt3A_47 = arith.cmpi slt, %sub3A_42, %lt3A_46 : vector<16xi32>
        %and3A = arith.andi %ge3A_44, %lt3A_47 : vector<16xi1>
        %add3A_48 = arith.constant 128 : i32
        %add3A_49 = vector.broadcast %add3A_48 : i32 to vector<16xi32>
        %add3A_50 = arith.addi %add3A_49, %iota3A : vector<16xi32>
        %select_n3A = arith.select %and3A, %sub3A_42, %add3A_50 : vector<16xi1>, vector<16xi32>
        %mul3A_51 = arith.constant 16 : i32
        %mul3A_52 = arith.muli %scan3A_36, %mul3A_51 : i32
        %add3A_53 = vector.broadcast %mul3A_52 : i32 to vector<16xi32>
        %add3A_54 = arith.addi %iota3A, %add3A_53 : vector<16xi32>
        %jit3A = arith.constant 2048 : i32
        %broadcast_in_dim3A = vector.broadcast %jit3A : i32 to vector<16xi32>
        %select_n3A_55 = arith.select %and3A, %add3A_54, %broadcast_in_dim3A : vector<16xi1>, vector<16xi32>
        tpu.vector_store_idx %arg9[%select_n3A], %select_n3A_55 : memref<144xi32, #tpu.memory_space<vmem>>[vector<16xi32>], vector<16xi32>,
      }
      %scan3A_25 = arith.constant 128 : i32
      "tpu.region"() ({
        %run_scoped3A = tpu.sem_alloc : memref<!tpu.dma_semaphore, #tpu.memory_space<semaphore_mem>>
        %dma_start3A_36 = arith.constant 0 : i32
        %dma_start3A_37 = tpu.memref_slice %arg9[%dma_start3A_36] : memref<144xi32, #tpu.memory_space<vmem>> -> memref<128xi32, #tpu.memory_space<vmem>>
        %dma_start3A_38 = tpu.memref_slice %arg5[%multiple_of3A] : memref<4096xi32, #tpu.memory_space<hbm>> -> memref<128xi32, #tpu.memory_space<hbm>>
        %dma_start3A_39 = tpu.memref_slice %arg5[%multiple_of3A] : memref<4096xi32, #tpu.memory_space<hbm>> -> memref<128xi32, #tpu.memory_space<hbm>>
        %dma_start3A_40 = arith.constant 0 : i32
        %dma_start3A_41 = tpu.memref_slice %arg9[%dma_start3A_40] : memref<144xi32, #tpu.memory_space<vmem>> -> memref<128xi32, #tpu.memory_space<vmem>>
        tpu.enqueue_dma source(%dma_start3A_41 : memref<128xi32, #tpu.memory_space<vmem>>) target(%dma_start3A_39 : memref<128xi32, #tpu.memory_space<hbm>>) target_semaphore(%run_scoped3A : memref<!tpu.dma_semaphore, #tpu.memory_space<semaphore_mem>>)
        %dma_wait3A_42 = arith.constant 0 : i32
        %dma_wait3A_43 = tpu.memref_slice %arg9[%dma_wait3A_42] : memref<144xi32, #tpu.memory_space<vmem>> -> memref<128xi32, #tpu.memory_space<vmem>>
        %dma_wait3A_44 = tpu.memref_slice %arg5[%multiple_of3A] : memref<4096xi32, #tpu.memory_space<hbm>> -> memref<128xi32, #tpu.memory_space<hbm>>
        %dma_wait3A_45 = tpu.memref_slice %arg5[%multiple_of3A] : memref<4096xi32, #tpu.memory_space<hbm>> -> memref<128xi32, #tpu.memory_space<hbm>>
        %dma_wait3A_46 = arith.constant 0 : i32
        %dma_wait3A_47 = tpu.memref_slice %arg9[%dma_wait3A_46] : memref<144xi32, #tpu.memory_space<vmem>> -> memref<128xi32, #tpu.memory_space<vmem>>
        tpu.wait_dma2 semaphore(%run_scoped3A : memref<!tpu.dma_semaphore, #tpu.memory_space<semaphore_mem>>) src(%dma_wait3A_47 : memref<128xi32, #tpu.memory_space<vmem>>) dst(%dma_wait3A_45 : memref<128xi32, #tpu.memory_space<hbm>>)
        tpu.yield
      }) : () -> ()
      %scan3A_26 = arith.constant 0 : i32
      %scan3A_27 = arith.constant 0 : i32
      %scan3A_28 = arith.constant 8 : i32
      %scan3A_29 = arith.addi %scan3A_27, %scan3A_28 : i32
      %scan3A_30 = arith.constant 1 : i32
      scf.for %scan3A_36 = %scan3A_27 to %scan3A_29 step %scan3A_30  : i32 {
        %mul3A_37 = arith.constant 16 : i32
        %mul3A_38 = arith.muli %scan3A_36, %mul3A_37 : i32
        %get3A_39 = arith.index_cast %mul3A_38 : i32 to index
        %get3A_40 = tpu.vector_load %arg9[%get3A_39] {strides = array<i32>} : memref<144xi32, #tpu.memory_space<vmem>>, vector<16xi32>,
        %ge3A = arith.constant 2048 : i32
        %ge3A_41 = vector.broadcast %ge3A : i32 to vector<16xi32>
        %ge3A_42 = arith.cmpi sge, %get3A_40, %ge3A_41 : vector<16xi32>
        %jit3A = arith.constant 0 : i32
        %broadcast_in_dim3A = vector.broadcast %jit3A : i32 to vector<16xi32>
        %select_n3A = arith.select %ge3A_42, %broadcast_in_dim3A, %get3A_40 : vector<16xi1>, vector<16xi32>
        %mul3A_43 = arith.constant 16 : i32
        %mul3A_44 = arith.muli %scan3A_36, %mul3A_43 : i32
        %swap3A = arith.index_cast %mul3A_44 : i32 to index
        %swap3A_45 = tpu.vector_load %arg10[%swap3A] {strides = array<i32>} : memref<128xi32, #tpu.memory_space<vmem>>, vector<16xi32>,
        tpu.vector_store %arg10[%swap3A], %select_n3A {strides = array<i32>} : memref<128xi32, #tpu.memory_space<vmem>>, vector<16xi32>,
      }
      %scan3A_31 = arith.constant 8 : i32
      %dma_start3A = arith.constant 0 : i32
      %dma_start3A_32 = arith.constant 0 : i32
      %dma_start3A_33 = tpu.memref_slice %arg4[%dma_start3A, %dma_start3A_32] : memref<2048x768xf32, #tpu.memory_space<hbm>> -> memref<2048x768xf32, #tpu.memory_space<hbm>>
      tpu.enqueue_indirect_dma source(%dma_start3A_33 : memref<2048x768xf32, #tpu.memory_space<hbm>>) target(%arg11 : memref<128x768xf32, #tpu.memory_space<vmem>>) offsets(%arg10 : memref<128xi32, #tpu.memory_space<vmem>>) semaphore(%arg12 : memref<!tpu.dma_semaphore, #tpu.memory_space<semaphore_mem>>)
      %dma_wait3A = arith.constant 0 : i32
      %dma_wait3A_34 = arith.constant 0 : i32
      %dma_wait3A_35 = tpu.memref_slice %arg4[%dma_wait3A, %dma_wait3A_34] : memref<2048x768xf32, #tpu.memory_space<hbm>> -> memref<2048x768xf32, #tpu.memory_space<hbm>>
      tpu.wait_indirect_dma semaphore(%arg12 : memref<!tpu.dma_semaphore, #tpu.memory_space<semaphore_mem>>) src(%dma_wait3A_35 : memref<2048x768xf32, #tpu.memory_space<hbm>>) dst(%arg11 : memref<128x768xf32, #tpu.memory_space<vmem>>)
      "tpu.region"() ({
        %run_scoped3A = tpu.sem_alloc : memref<!tpu.dma_semaphore, #tpu.memory_space<semaphore_mem>>
        %dma_start3A_36 = arith.constant 0 : i32
        %dma_start3A_37 = tpu.memref_slice %arg6[%multiple_of3A, %dma_start3A_36] : memref<4096x768xf32, #tpu.memory_space<hbm>> -> memref<128x768xf32, #tpu.memory_space<hbm>>
        %dma_start3A_38 = arith.constant 0 : i32
        %dma_start3A_39 = tpu.memref_slice %arg6[%multiple_of3A, %dma_start3A_38] : memref<4096x768xf32, #tpu.memory_space<hbm>> -> memref<128x768xf32, #tpu.memory_space<hbm>>
        tpu.enqueue_dma source(%arg11 : memref<128x768xf32, #tpu.memory_space<vmem>>) target(%dma_start3A_39 : memref<128x768xf32, #tpu.memory_space<hbm>>) target_semaphore(%run_scoped3A : memref<!tpu.dma_semaphore, #tpu.memory_space<semaphore_mem>>)
        %dma_wait3A_40 = arith.constant 0 : i32
        %dma_wait3A_41 = tpu.memref_slice %arg6[%multiple_of3A, %dma_wait3A_40] : memref<4096x768xf32, #tpu.memory_space<hbm>> -> memref<128x768xf32, #tpu.memory_space<hbm>>
        %dma_wait3A_42 = arith.constant 0 : i32
        %dma_wait3A_43 = tpu.memref_slice %arg6[%multiple_of3A, %dma_wait3A_42] : memref<4096x768xf32, #tpu.memory_space<hbm>> -> memref<128x768xf32, #tpu.memory_space<hbm>>
        tpu.wait_dma2 semaphore(%run_scoped3A : memref<!tpu.dma_semaphore, #tpu.memory_space<semaphore_mem>>) src(%arg11 : memref<128x768xf32, #tpu.memory_space<vmem>>) dst(%dma_wait3A_43 : memref<128x768xf32, #tpu.memory_space<hbm>>)
        tpu.yield
      }) : () -> ()
    } else {
    }
    return
  }
}

module attributes {stable_mosaic.version = 14 : i64} {
  func.func @_router_body(%arg0: memref<2048x768xf32, #tpu.memory_space<vmem>>, %arg1: memref<768x8xf32, #tpu.memory_space<vmem>>, %arg2: memref<1x8xf32, #tpu.memory_space<vmem>>, %arg3: memref<2048x8xf32, #tpu.memory_space<vmem>>, %arg4: memref<2048x8xf32, #tpu.memory_space<vmem>>, %arg5: memref<2048x2xi32, #tpu.memory_space<vmem>>, %arg6: memref<2048x1xi32, #tpu.memory_space<vmem>>, %arg7: memref<8x8xf32, #tpu.memory_space<vmem>>) attributes {dimension_semantics = [], scalar_prefetch = 0 : i64, scratch_operands = 0 : i64, tpu.core_type = #tpu.core_type<tc>} {
    %get3A = arith.constant 0 : index
    %get3A_0 = arith.constant 0 : index
    %get3A_1 = vector.load %arg0[%get3A, %get3A_0] : memref<2048x768xf32, #tpu.memory_space<vmem>>, vector<2048x768xf32>
    %get3A_2 = arith.constant 0 : index
    %get3A_3 = arith.constant 0 : index
    %get3A_4 = vector.load %arg1[%get3A_2, %get3A_3] : memref<768x8xf32, #tpu.memory_space<vmem>>, vector<768x8xf32>
    %dot_general3A = arith.constant dense<0.000000e+00> : vector<2048x8xf32>
    %dot_general3A_5 = tpu.matmul %get3A_1, %get3A_4, %dot_general3A {dimension_numbers = #tpu.dot_dimension_numbers<[1], [0], [0], [1], [0, 0, 1, 1], [], []>, transpose_lhs_hint = false} : vector<2048x768xf32>, vector<768x8xf32>, vector<2048x8xf32> -> vector<2048x8xf32>
    %get3A_6 = arith.constant 0 : index
    %get3A_7 = arith.constant 0 : index
    %get3A_8 = vector.load %arg2[%get3A_6, %get3A_7] : memref<1x8xf32, #tpu.memory_space<vmem>>, vector<1x8xf32>
    %add3A = vector.broadcast %get3A_8 : vector<1x8xf32> to vector<2048x8xf32>
    %add3A_9 = arith.addf %dot_general3A_5, %add3A : vector<2048x8xf32>
    %swap3A = arith.constant 0 : index
    %swap3A_10 = arith.constant 0 : index
    %swap3A_11 = vector.load %arg3[%swap3A, %swap3A_10] : memref<2048x8xf32, #tpu.memory_space<vmem>>, vector<2048x8xf32>
    tpu.vector_store %arg3[%swap3A, %swap3A_10], %add3A_9 {strides = array<i32>} : memref<2048x8xf32, #tpu.memory_space<vmem>>, vector<2048x8xf32>,
    %reduce_max3A = arith.constant dense<0xFF800000> : vector<2048xf32>
    %reduce_max3A_12 = vector.multi_reduction <maximumf>, %add3A_9, %reduce_max3A [1] : vector<2048x8xf32> to vector<2048xf32>
    %broadcast_in_dim3A = vector.shape_cast %reduce_max3A_12 : vector<2048xf32> to vector<2048x1xf32>
    %sub3A = vector.broadcast %broadcast_in_dim3A : vector<2048x1xf32> to vector<2048x8xf32>
    %sub3A_13 = arith.subf %add3A_9, %sub3A : vector<2048x8xf32>
    %exp3A = math.exp %sub3A_13 : vector<2048x8xf32>
    %reduce_sum3A = arith.constant dense<0.000000e+00> : vector<2048xf32>
    %reduce_sum3A_14 = vector.multi_reduction <add>, %exp3A, %reduce_sum3A [1] : vector<2048x8xf32> to vector<2048xf32>
    %broadcast_in_dim3A_15 = vector.shape_cast %reduce_sum3A_14 : vector<2048xf32> to vector<2048x1xf32>
    %div3A = vector.broadcast %broadcast_in_dim3A_15 : vector<2048x1xf32> to vector<2048x8xf32>
    %div3A_16 = arith.divf %exp3A, %div3A : vector<2048x8xf32>
    %iota3A = tpu.iota {dimensions = array<i32: 1>} : vector<2048x8xi32>
    %reduce_max3A_17 = arith.constant dense<0xFF800000> : vector<2048xf32>
    %reduce_max3A_18 = vector.multi_reduction <maximumf>, %div3A_16, %reduce_max3A_17 [1] : vector<2048x8xf32> to vector<2048xf32>
    %broadcast_in_dim3A_19 = vector.shape_cast %reduce_max3A_18 : vector<2048xf32> to vector<2048x1xf32>
    %eq3A = vector.broadcast %broadcast_in_dim3A_19 : vector<2048x1xf32> to vector<2048x8xf32>
    %eq3A_20 = arith.cmpf oeq, %div3A_16, %eq3A : vector<2048x8xf32>
    %jit3A = arith.constant 8 : i32
    %broadcast_in_dim3A_21 = vector.broadcast %jit3A : i32 to vector<2048x8xi32>
    %select_n3A = arith.select %eq3A_20, %iota3A, %broadcast_in_dim3A_21 : vector<2048x8xi1>, vector<2048x8xi32>
    %reduce_min3A = arith.constant dense<2147483647> : vector<2048xi32>
    %reduce_min3A_22 = vector.multi_reduction <minsi>, %select_n3A, %reduce_min3A [1] : vector<2048x8xi32> to vector<2048xi32>
    %broadcast_in_dim3A_23 = vector.shape_cast %reduce_min3A_22 : vector<2048xi32> to vector<2048x1xi32>
    %eq3A_24 = vector.broadcast %broadcast_in_dim3A_23 : vector<2048x1xi32> to vector<2048x8xi32>
    %eq3A_25 = arith.cmpi eq, %iota3A, %eq3A_24 : vector<2048x8xi32>
    %jit3A_26 = arith.constant 0xFF800000 : f32
    %broadcast_in_dim3A_27 = vector.broadcast %jit3A_26 : f32 to vector<2048x8xf32>
    %select_n3A_28 = arith.select %eq3A_25, %broadcast_in_dim3A_27, %div3A_16 : vector<2048x8xi1>, vector<2048x8xf32>
    %reduce_max3A_29 = arith.constant dense<0xFF800000> : vector<2048xf32>
    %reduce_max3A_30 = vector.multi_reduction <maximumf>, %select_n3A_28, %reduce_max3A_29 [1] : vector<2048x8xf32> to vector<2048xf32>
    %broadcast_in_dim3A_31 = vector.shape_cast %reduce_max3A_30 : vector<2048xf32> to vector<2048x1xf32>
    %eq3A_32 = vector.broadcast %broadcast_in_dim3A_31 : vector<2048x1xf32> to vector<2048x8xf32>
    %eq3A_33 = arith.cmpf oeq, %select_n3A_28, %eq3A_32 : vector<2048x8xf32>
    %jit3A_34 = arith.constant 8 : i32
    %broadcast_in_dim3A_35 = vector.broadcast %jit3A_34 : i32 to vector<2048x8xi32>
    %select_n3A_36 = arith.select %eq3A_33, %iota3A, %broadcast_in_dim3A_35 : vector<2048x8xi1>, vector<2048x8xi32>
    %reduce_min3A_37 = arith.constant dense<2147483647> : vector<2048xi32>
    %reduce_min3A_38 = vector.multi_reduction <minsi>, %select_n3A_36, %reduce_min3A_37 [1] : vector<2048x8xi32> to vector<2048xi32>
    %broadcast_in_dim3A_39 = vector.shape_cast %reduce_min3A_38 : vector<2048xi32> to vector<2048x1xi32>
    %eq3A_40 = vector.broadcast %broadcast_in_dim3A_39 : vector<2048x1xi32> to vector<2048x8xi32>
    %eq3A_41 = arith.cmpi eq, %iota3A, %eq3A_40 : vector<2048x8xi32>
    %or3A = arith.ori %eq3A_25, %eq3A_41 : vector<2048x8xi1>
    %convert_element_type3A = arith.extui %or3A : vector<2048x8xi1> to vector<2048x8xi32>
    %convert_element_type3A_42 = arith.sitofp %convert_element_type3A : vector<2048x8xi32> to vector<2048x8xf32>
    %mul3A = arith.mulf %div3A_16, %convert_element_type3A_42 : vector<2048x8xf32>
    %reduce_sum3A_43 = arith.constant dense<0.000000e+00> : vector<2048xf32>
    %reduce_sum3A_44 = vector.multi_reduction <add>, %mul3A, %reduce_sum3A_43 [1] : vector<2048x8xf32> to vector<2048xf32>
    %broadcast_in_dim3A_45 = vector.shape_cast %reduce_sum3A_44 : vector<2048xf32> to vector<2048x1xf32>
    %add3A_46 = arith.constant 9.99999971E-10 : f32
    %add3A_47 = vector.broadcast %add3A_46 : f32 to vector<2048x1xf32>
    %add3A_48 = arith.addf %broadcast_in_dim3A_45, %add3A_47 : vector<2048x1xf32>
    %div3A_49 = vector.broadcast %add3A_48 : vector<2048x1xf32> to vector<2048x8xf32>
    %div3A_50 = arith.divf %mul3A, %div3A_49 : vector<2048x8xf32>
    %swap3A_51 = arith.constant 0 : index
    %swap3A_52 = arith.constant 0 : index
    %swap3A_53 = vector.load %arg4[%swap3A_51, %swap3A_52] : memref<2048x8xf32, #tpu.memory_space<vmem>>, vector<2048x8xf32>
    tpu.vector_store %arg4[%swap3A_51, %swap3A_52], %div3A_50 {strides = array<i32>} : memref<2048x8xf32, #tpu.memory_space<vmem>>, vector<2048x8xf32>,
    %concatenate3A = tpu.concatenate %broadcast_in_dim3A_23, %broadcast_in_dim3A_39 in 1 : vector<2048x1xi32>, vector<2048x1xi32> -> vector<2048x2xi32>
    %swap3A_54 = arith.constant 0 : index
    %swap3A_55 = arith.constant 0 : index
    %swap3A_56 = vector.load %arg5[%swap3A_54, %swap3A_55] : memref<2048x2xi32, #tpu.memory_space<vmem>>, vector<2048x2xi32>
    tpu.vector_store %arg5[%swap3A_54, %swap3A_55], %concatenate3A {strides = array<i32>} : memref<2048x2xi32, #tpu.memory_space<vmem>>, vector<2048x2xi32>,
    %iota3A_57 = tpu.iota {dimensions = array<i32: 1>} : vector<256x2048xi32>
    %convert_element_type3A_58 = arith.extui %eq3A_25 : vector<2048x8xi1> to vector<2048x8xi32>
    %convert_element_type3A_59 = arith.sitofp %convert_element_type3A_58 : vector<2048x8xi32> to vector<2048x8xf32>
    %reduce_sum3A_60 = arith.constant dense<0.000000e+00> : vector<8xf32>
    %reduce_sum3A_61 = vector.multi_reduction <add>, %convert_element_type3A_59, %reduce_sum3A_60 [0] : vector<2048x8xf32> to vector<8xf32>
    %broadcast_in_dim3A_62 = vector.shape_cast %reduce_sum3A_61 : vector<8xf32> to vector<1x8xf32>
    %min3A = arith.constant 2.560000e+02 : f32
    %min3A_63 = vector.broadcast %min3A : f32 to vector<1x8xf32>
    %min3A_64 = arith.minimumf %broadcast_in_dim3A_62, %min3A_63 : vector<1x8xf32>
    %sub3A_65 = arith.constant 2.560000e+02 : f32
    %sub3A_66 = vector.broadcast %sub3A_65 : f32 to vector<1x8xf32>
    %sub3A_67 = arith.subf %sub3A_66, %min3A_64 : vector<1x8xf32>
    %iota3A_68 = tpu.iota {dimensions = array<i32: 0>} : vector<256x2048xi32>
    %add3A_69 = arith.constant 0 : i32
    %add3A_70 = vector.broadcast %add3A_69 : i32 to vector<256x2048xi32>
    %add3A_71 = arith.addi %iota3A_68, %add3A_70 : vector<256x2048xi32>
    %lt3A = arith.cmpi slt, %iota3A_57, %add3A_71 : vector<256x2048xi32>
    %convert_element_type3A_72 = arith.extui %lt3A : vector<256x2048xi1> to vector<256x2048xi32>
    %convert_element_type3A_73 = arith.sitofp %convert_element_type3A_72 : vector<256x2048xi32> to vector<256x2048xf32>
    %dot_general3A_74 = arith.constant dense<0.000000e+00> : vector<256x8xf32>
    %dot_general3A_75 = tpu.matmul %convert_element_type3A_73, %convert_element_type3A_59, %dot_general3A_74 {dimension_numbers = #tpu.dot_dimension_numbers<[1], [0], [0], [1], [0, 0, 1, 1], [], []>, transpose_lhs_hint = false} : vector<256x2048xf32>, vector<2048x8xf32>, vector<256x8xf32> -> vector<256x8xf32>
    %iota3A_76 = tpu.iota {dimensions = array<i32: 0>} : vector<256x2048xi32>
    %add3A_77 = arith.constant 256 : i32
    %add3A_78 = vector.broadcast %add3A_77 : i32 to vector<256x2048xi32>
    %add3A_79 = arith.addi %iota3A_76, %add3A_78 : vector<256x2048xi32>
    %lt3A_80 = arith.cmpi slt, %iota3A_57, %add3A_79 : vector<256x2048xi32>
    %convert_element_type3A_81 = arith.extui %lt3A_80 : vector<256x2048xi1> to vector<256x2048xi32>
    %convert_element_type3A_82 = arith.sitofp %convert_element_type3A_81 : vector<256x2048xi32> to vector<256x2048xf32>
    %dot_general3A_83 = arith.constant dense<0.000000e+00> : vector<256x8xf32>
    %dot_general3A_84 = tpu.matmul %convert_element_type3A_82, %convert_element_type3A_59, %dot_general3A_83 {dimension_numbers = #tpu.dot_dimension_numbers<[1], [0], [0], [1], [0, 0, 1, 1], [], []>, transpose_lhs_hint = false} : vector<256x2048xf32>, vector<2048x8xf32>, vector<256x8xf32> -> vector<256x8xf32>
    %iota3A_85 = tpu.iota {dimensions = array<i32: 0>} : vector<256x2048xi32>
    %add3A_86 = arith.constant 512 : i32
    %add3A_87 = vector.broadcast %add3A_86 : i32 to vector<256x2048xi32>
    %add3A_88 = arith.addi %iota3A_85, %add3A_87 : vector<256x2048xi32>
    %lt3A_89 = arith.cmpi slt, %iota3A_57, %add3A_88 : vector<256x2048xi32>
    %convert_element_type3A_90 = arith.extui %lt3A_89 : vector<256x2048xi1> to vector<256x2048xi32>
    %convert_element_type3A_91 = arith.sitofp %convert_element_type3A_90 : vector<256x2048xi32> to vector<256x2048xf32>
    %dot_general3A_92 = arith.constant dense<0.000000e+00> : vector<256x8xf32>
    %dot_general3A_93 = tpu.matmul %convert_element_type3A_91, %convert_element_type3A_59, %dot_general3A_92 {dimension_numbers = #tpu.dot_dimension_numbers<[1], [0], [0], [1], [0, 0, 1, 1], [], []>, transpose_lhs_hint = false} : vector<256x2048xf32>, vector<2048x8xf32>, vector<256x8xf32> -> vector<256x8xf32>
    %iota3A_94 = tpu.iota {dimensions = array<i32: 0>} : vector<256x2048xi32>
    %add3A_95 = arith.constant 768 : i32
    %add3A_96 = vector.broadcast %add3A_95 : i32 to vector<256x2048xi32>
    %add3A_97 = arith.addi %iota3A_94, %add3A_96 : vector<256x2048xi32>
    %lt3A_98 = arith.cmpi slt, %iota3A_57, %add3A_97 : vector<256x2048xi32>
    %convert_element_type3A_99 = arith.extui %lt3A_98 : vector<256x2048xi1> to vector<256x2048xi32>
    %convert_element_type3A_100 = arith.sitofp %convert_element_type3A_99 : vector<256x2048xi32> to vector<256x2048xf32>
    %dot_general3A_101 = arith.constant dense<0.000000e+00> : vector<256x8xf32>
    %dot_general3A_102 = tpu.matmul %convert_element_type3A_100, %convert_element_type3A_59, %dot_general3A_101 {dimension_numbers = #tpu.dot_dimension_numbers<[1], [0], [0], [1], [0, 0, 1, 1], [], []>, transpose_lhs_hint = false} : vector<256x2048xf32>, vector<2048x8xf32>, vector<256x8xf32> -> vector<256x8xf32>
    %iota3A_103 = tpu.iota {dimensions = array<i32: 0>} : vector<256x2048xi32>
    %add3A_104 = arith.constant 1024 : i32
    %add3A_105 = vector.broadcast %add3A_104 : i32 to vector<256x2048xi32>
    %add3A_106 = arith.addi %iota3A_103, %add3A_105 : vector<256x2048xi32>
    %lt3A_107 = arith.cmpi slt, %iota3A_57, %add3A_106 : vector<256x2048xi32>
    %convert_element_type3A_108 = arith.extui %lt3A_107 : vector<256x2048xi1> to vector<256x2048xi32>
    %convert_element_type3A_109 = arith.sitofp %convert_element_type3A_108 : vector<256x2048xi32> to vector<256x2048xf32>
    %dot_general3A_110 = arith.constant dense<0.000000e+00> : vector<256x8xf32>
    %dot_general3A_111 = tpu.matmul %convert_element_type3A_109, %convert_element_type3A_59, %dot_general3A_110 {dimension_numbers = #tpu.dot_dimension_numbers<[1], [0], [0], [1], [0, 0, 1, 1], [], []>, transpose_lhs_hint = false} : vector<256x2048xf32>, vector<2048x8xf32>, vector<256x8xf32> -> vector<256x8xf32>
    %iota3A_112 = tpu.iota {dimensions = array<i32: 0>} : vector<256x2048xi32>
    %add3A_113 = arith.constant 1280 : i32
    %add3A_114 = vector.broadcast %add3A_113 : i32 to vector<256x2048xi32>
    %add3A_115 = arith.addi %iota3A_112, %add3A_114 : vector<256x2048xi32>
    %lt3A_116 = arith.cmpi slt, %iota3A_57, %add3A_115 : vector<256x2048xi32>
    %convert_element_type3A_117 = arith.extui %lt3A_116 : vector<256x2048xi1> to vector<256x2048xi32>
    %convert_element_type3A_118 = arith.sitofp %convert_element_type3A_117 : vector<256x2048xi32> to vector<256x2048xf32>
    %dot_general3A_119 = arith.constant dense<0.000000e+00> : vector<256x8xf32>
    %dot_general3A_120 = tpu.matmul %convert_element_type3A_118, %convert_element_type3A_59, %dot_general3A_119 {dimension_numbers = #tpu.dot_dimension_numbers<[1], [0], [0], [1], [0, 0, 1, 1], [], []>, transpose_lhs_hint = false} : vector<256x2048xf32>, vector<2048x8xf32>, vector<256x8xf32> -> vector<256x8xf32>
    %iota3A_121 = tpu.iota {dimensions = array<i32: 0>} : vector<256x2048xi32>
    %add3A_122 = arith.constant 1536 : i32
    %add3A_123 = vector.broadcast %add3A_122 : i32 to vector<256x2048xi32>
    %add3A_124 = arith.addi %iota3A_121, %add3A_123 : vector<256x2048xi32>
    %lt3A_125 = arith.cmpi slt, %iota3A_57, %add3A_124 : vector<256x2048xi32>
    %convert_element_type3A_126 = arith.extui %lt3A_125 : vector<256x2048xi1> to vector<256x2048xi32>
    %convert_element_type3A_127 = arith.sitofp %convert_element_type3A_126 : vector<256x2048xi32> to vector<256x2048xf32>
    %dot_general3A_128 = arith.constant dense<0.000000e+00> : vector<256x8xf32>
    %dot_general3A_129 = tpu.matmul %convert_element_type3A_127, %convert_element_type3A_59, %dot_general3A_128 {dimension_numbers = #tpu.dot_dimension_numbers<[1], [0], [0], [1], [0, 0, 1, 1], [], []>, transpose_lhs_hint = false} : vector<256x2048xf32>, vector<2048x8xf32>, vector<256x8xf32> -> vector<256x8xf32>
    %iota3A_130 = tpu.iota {dimensions = array<i32: 0>} : vector<256x2048xi32>
    %add3A_131 = arith.constant 1792 : i32
    %add3A_132 = vector.broadcast %add3A_131 : i32 to vector<256x2048xi32>
    %add3A_133 = arith.addi %iota3A_130, %add3A_132 : vector<256x2048xi32>
    %lt3A_134 = arith.cmpi slt, %iota3A_57, %add3A_133 : vector<256x2048xi32>
    %convert_element_type3A_135 = arith.extui %lt3A_134 : vector<256x2048xi1> to vector<256x2048xi32>
    %convert_element_type3A_136 = arith.sitofp %convert_element_type3A_135 : vector<256x2048xi32> to vector<256x2048xf32>
    %dot_general3A_137 = arith.constant dense<0.000000e+00> : vector<256x8xf32>
    %dot_general3A_138 = tpu.matmul %convert_element_type3A_136, %convert_element_type3A_59, %dot_general3A_137 {dimension_numbers = #tpu.dot_dimension_numbers<[1], [0], [0], [1], [0, 0, 1, 1], [], []>, transpose_lhs_hint = false} : vector<256x2048xf32>, vector<2048x8xf32>, vector<256x8xf32> -> vector<256x8xf32>
    %concatenate3A_139 = tpu.concatenate %dot_general3A_75, %dot_general3A_84, %dot_general3A_93, %dot_general3A_102, %dot_general3A_111, %dot_general3A_120, %dot_general3A_129, %dot_general3A_138 in 0 : vector<256x8xf32>, vector<256x8xf32>, vector<256x8xf32>, vector<256x8xf32>, vector<256x8xf32>, vector<256x8xf32>, vector<256x8xf32>, vector<256x8xf32> -> vector<2048x8xf32>
    %mul3A_140 = arith.mulf %concatenate3A_139, %convert_element_type3A_59 : vector<2048x8xf32>
    %reduce_sum3A_141 = arith.constant dense<0.000000e+00> : vector<2048xf32>
    %reduce_sum3A_142 = vector.multi_reduction <add>, %mul3A_140, %reduce_sum3A_141 [1] : vector<2048x8xf32> to vector<2048xf32>
    %broadcast_in_dim3A_143 = vector.shape_cast %reduce_sum3A_142 : vector<2048xf32> to vector<2048x1xf32>
    %lt3A_144 = arith.constant 2.560000e+02 : f32
    %lt3A_145 = vector.broadcast %lt3A_144 : f32 to vector<2048x1xf32>
    %lt3A_146 = arith.cmpf olt, %broadcast_in_dim3A_143, %lt3A_145 : vector<2048x1xf32>
    %not3A = arith.constant dense<true> : vector<2048x1xi1>
    %not3A_147 = arith.xori %lt3A_146, %not3A : vector<2048x1xi1>
    %convert_element_type3A_148 = arith.extui %eq3A_41 : vector<2048x8xi1> to vector<2048x8xi32>
    %convert_element_type3A_149 = arith.sitofp %convert_element_type3A_148 : vector<2048x8xi32> to vector<2048x8xf32>
    %convert_element_type3A_150 = arith.extui %not3A_147 : vector<2048x1xi1> to vector<2048x1xi32>
    %convert_element_type3A_151 = arith.sitofp %convert_element_type3A_150 : vector<2048x1xi32> to vector<2048x1xf32>
    %mul3A_152 = vector.broadcast %convert_element_type3A_151 : vector<2048x1xf32> to vector<2048x8xf32>
    %mul3A_153 = arith.mulf %convert_element_type3A_149, %mul3A_152 : vector<2048x8xf32>
    %iota3A_154 = tpu.iota {dimensions = array<i32: 0>} : vector<256x2048xi32>
    %add3A_155 = arith.constant 0 : i32
    %add3A_156 = vector.broadcast %add3A_155 : i32 to vector<256x2048xi32>
    %add3A_157 = arith.addi %iota3A_154, %add3A_156 : vector<256x2048xi32>
    %lt3A_158 = arith.cmpi slt, %iota3A_57, %add3A_157 : vector<256x2048xi32>
    %convert_element_type3A_159 = arith.extui %lt3A_158 : vector<256x2048xi1> to vector<256x2048xi32>
    %convert_element_type3A_160 = arith.sitofp %convert_element_type3A_159 : vector<256x2048xi32> to vector<256x2048xf32>
    %dot_general3A_161 = arith.constant dense<0.000000e+00> : vector<256x8xf32>
    %dot_general3A_162 = tpu.matmul %convert_element_type3A_160, %mul3A_153, %dot_general3A_161 {dimension_numbers = #tpu.dot_dimension_numbers<[1], [0], [0], [1], [0, 0, 1, 1], [], []>, transpose_lhs_hint = false} : vector<256x2048xf32>, vector<2048x8xf32>, vector<256x8xf32> -> vector<256x8xf32>
    %iota3A_163 = tpu.iota {dimensions = array<i32: 0>} : vector<256x2048xi32>
    %add3A_164 = arith.constant 256 : i32
    %add3A_165 = vector.broadcast %add3A_164 : i32 to vector<256x2048xi32>
    %add3A_166 = arith.addi %iota3A_163, %add3A_165 : vector<256x2048xi32>
    %lt3A_167 = arith.cmpi slt, %iota3A_57, %add3A_166 : vector<256x2048xi32>
    %convert_element_type3A_168 = arith.extui %lt3A_167 : vector<256x2048xi1> to vector<256x2048xi32>
    %convert_element_type3A_169 = arith.sitofp %convert_element_type3A_168 : vector<256x2048xi32> to vector<256x2048xf32>
    %dot_general3A_170 = arith.constant dense<0.000000e+00> : vector<256x8xf32>
    %dot_general3A_171 = tpu.matmul %convert_element_type3A_169, %mul3A_153, %dot_general3A_170 {dimension_numbers = #tpu.dot_dimension_numbers<[1], [0], [0], [1], [0, 0, 1, 1], [], []>, transpose_lhs_hint = false} : vector<256x2048xf32>, vector<2048x8xf32>, vector<256x8xf32> -> vector<256x8xf32>
    %iota3A_172 = tpu.iota {dimensions = array<i32: 0>} : vector<256x2048xi32>
    %add3A_173 = arith.constant 512 : i32
    %add3A_174 = vector.broadcast %add3A_173 : i32 to vector<256x2048xi32>
    %add3A_175 = arith.addi %iota3A_172, %add3A_174 : vector<256x2048xi32>
    %lt3A_176 = arith.cmpi slt, %iota3A_57, %add3A_175 : vector<256x2048xi32>
    %convert_element_type3A_177 = arith.extui %lt3A_176 : vector<256x2048xi1> to vector<256x2048xi32>
    %convert_element_type3A_178 = arith.sitofp %convert_element_type3A_177 : vector<256x2048xi32> to vector<256x2048xf32>
    %dot_general3A_179 = arith.constant dense<0.000000e+00> : vector<256x8xf32>
    %dot_general3A_180 = tpu.matmul %convert_element_type3A_178, %mul3A_153, %dot_general3A_179 {dimension_numbers = #tpu.dot_dimension_numbers<[1], [0], [0], [1], [0, 0, 1, 1], [], []>, transpose_lhs_hint = false} : vector<256x2048xf32>, vector<2048x8xf32>, vector<256x8xf32> -> vector<256x8xf32>
    %iota3A_181 = tpu.iota {dimensions = array<i32: 0>} : vector<256x2048xi32>
    %add3A_182 = arith.constant 768 : i32
    %add3A_183 = vector.broadcast %add3A_182 : i32 to vector<256x2048xi32>
    %add3A_184 = arith.addi %iota3A_181, %add3A_183 : vector<256x2048xi32>
    %lt3A_185 = arith.cmpi slt, %iota3A_57, %add3A_184 : vector<256x2048xi32>
    %convert_element_type3A_186 = arith.extui %lt3A_185 : vector<256x2048xi1> to vector<256x2048xi32>
    %convert_element_type3A_187 = arith.sitofp %convert_element_type3A_186 : vector<256x2048xi32> to vector<256x2048xf32>
    %dot_general3A_188 = arith.constant dense<0.000000e+00> : vector<256x8xf32>
    %dot_general3A_189 = tpu.matmul %convert_element_type3A_187, %mul3A_153, %dot_general3A_188 {dimension_numbers = #tpu.dot_dimension_numbers<[1], [0], [0], [1], [0, 0, 1, 1], [], []>, transpose_lhs_hint = false} : vector<256x2048xf32>, vector<2048x8xf32>, vector<256x8xf32> -> vector<256x8xf32>
    %iota3A_190 = tpu.iota {dimensions = array<i32: 0>} : vector<256x2048xi32>
    %add3A_191 = arith.constant 1024 : i32
    %add3A_192 = vector.broadcast %add3A_191 : i32 to vector<256x2048xi32>
    %add3A_193 = arith.addi %iota3A_190, %add3A_192 : vector<256x2048xi32>
    %lt3A_194 = arith.cmpi slt, %iota3A_57, %add3A_193 : vector<256x2048xi32>
    %convert_element_type3A_195 = arith.extui %lt3A_194 : vector<256x2048xi1> to vector<256x2048xi32>
    %convert_element_type3A_196 = arith.sitofp %convert_element_type3A_195 : vector<256x2048xi32> to vector<256x2048xf32>
    %dot_general3A_197 = arith.constant dense<0.000000e+00> : vector<256x8xf32>
    %dot_general3A_198 = tpu.matmul %convert_element_type3A_196, %mul3A_153, %dot_general3A_197 {dimension_numbers = #tpu.dot_dimension_numbers<[1], [0], [0], [1], [0, 0, 1, 1], [], []>, transpose_lhs_hint = false} : vector<256x2048xf32>, vector<2048x8xf32>, vector<256x8xf32> -> vector<256x8xf32>
    %iota3A_199 = tpu.iota {dimensions = array<i32: 0>} : vector<256x2048xi32>
    %add3A_200 = arith.constant 1280 : i32
    %add3A_201 = vector.broadcast %add3A_200 : i32 to vector<256x2048xi32>
    %add3A_202 = arith.addi %iota3A_199, %add3A_201 : vector<256x2048xi32>
    %lt3A_203 = arith.cmpi slt, %iota3A_57, %add3A_202 : vector<256x2048xi32>
    %convert_element_type3A_204 = arith.extui %lt3A_203 : vector<256x2048xi1> to vector<256x2048xi32>
    %convert_element_type3A_205 = arith.sitofp %convert_element_type3A_204 : vector<256x2048xi32> to vector<256x2048xf32>
    %dot_general3A_206 = arith.constant dense<0.000000e+00> : vector<256x8xf32>
    %dot_general3A_207 = tpu.matmul %convert_element_type3A_205, %mul3A_153, %dot_general3A_206 {dimension_numbers = #tpu.dot_dimension_numbers<[1], [0], [0], [1], [0, 0, 1, 1], [], []>, transpose_lhs_hint = false} : vector<256x2048xf32>, vector<2048x8xf32>, vector<256x8xf32> -> vector<256x8xf32>
    %iota3A_208 = tpu.iota {dimensions = array<i32: 0>} : vector<256x2048xi32>
    %add3A_209 = arith.constant 1536 : i32
    %add3A_210 = vector.broadcast %add3A_209 : i32 to vector<256x2048xi32>
    %add3A_211 = arith.addi %iota3A_208, %add3A_210 : vector<256x2048xi32>
    %lt3A_212 = arith.cmpi slt, %iota3A_57, %add3A_211 : vector<256x2048xi32>
    %convert_element_type3A_213 = arith.extui %lt3A_212 : vector<256x2048xi1> to vector<256x2048xi32>
    %convert_element_type3A_214 = arith.sitofp %convert_element_type3A_213 : vector<256x2048xi32> to vector<256x2048xf32>
    %dot_general3A_215 = arith.constant dense<0.000000e+00> : vector<256x8xf32>
    %dot_general3A_216 = tpu.matmul %convert_element_type3A_214, %mul3A_153, %dot_general3A_215 {dimension_numbers = #tpu.dot_dimension_numbers<[1], [0], [0], [1], [0, 0, 1, 1], [], []>, transpose_lhs_hint = false} : vector<256x2048xf32>, vector<2048x8xf32>, vector<256x8xf32> -> vector<256x8xf32>
    %iota3A_217 = tpu.iota {dimensions = array<i32: 0>} : vector<256x2048xi32>
    %add3A_218 = arith.constant 1792 : i32
    %add3A_219 = vector.broadcast %add3A_218 : i32 to vector<256x2048xi32>
    %add3A_220 = arith.addi %iota3A_217, %add3A_219 : vector<256x2048xi32>
    %lt3A_221 = arith.cmpi slt, %iota3A_57, %add3A_220 : vector<256x2048xi32>
    %convert_element_type3A_222 = arith.extui %lt3A_221 : vector<256x2048xi1> to vector<256x2048xi32>
    %convert_element_type3A_223 = arith.sitofp %convert_element_type3A_222 : vector<256x2048xi32> to vector<256x2048xf32>
    %dot_general3A_224 = arith.constant dense<0.000000e+00> : vector<256x8xf32>
    %dot_general3A_225 = tpu.matmul %convert_element_type3A_223, %mul3A_153, %dot_general3A_224 {dimension_numbers = #tpu.dot_dimension_numbers<[1], [0], [0], [1], [0, 0, 1, 1], [], []>, transpose_lhs_hint = false} : vector<256x2048xf32>, vector<2048x8xf32>, vector<256x8xf32> -> vector<256x8xf32>
    %concatenate3A_226 = tpu.concatenate %dot_general3A_162, %dot_general3A_171, %dot_general3A_180, %dot_general3A_189, %dot_general3A_198, %dot_general3A_207, %dot_general3A_216, %dot_general3A_225 in 0 : vector<256x8xf32>, vector<256x8xf32>, vector<256x8xf32>, vector<256x8xf32>, vector<256x8xf32>, vector<256x8xf32>, vector<256x8xf32>, vector<256x8xf32> -> vector<2048x8xf32>
    %convert_element_type3A_227 = arith.extui %eq3A_41 : vector<2048x8xi1> to vector<2048x8xi32>
    %convert_element_type3A_228 = arith.sitofp %convert_element_type3A_227 : vector<2048x8xi32> to vector<2048x8xf32>
    %mul3A_229 = arith.mulf %concatenate3A_226, %convert_element_type3A_228 : vector<2048x8xf32>
    %reduce_sum3A_230 = arith.constant dense<0.000000e+00> : vector<2048xf32>
    %reduce_sum3A_231 = vector.multi_reduction <add>, %mul3A_229, %reduce_sum3A_230 [1] : vector<2048x8xf32> to vector<2048xf32>
    %broadcast_in_dim3A_232 = vector.shape_cast %reduce_sum3A_231 : vector<2048xf32> to vector<2048x1xf32>
    %convert_element_type3A_233 = arith.extui %eq3A_41 : vector<2048x8xi1> to vector<2048x8xi32>
    %convert_element_type3A_234 = arith.sitofp %convert_element_type3A_233 : vector<2048x8xi32> to vector<2048x8xf32>
    %mul3A_235 = vector.broadcast %sub3A_67 : vector<1x8xf32> to vector<2048x8xf32>
    %mul3A_236 = arith.mulf %convert_element_type3A_234, %mul3A_235 : vector<2048x8xf32>
    %reduce_sum3A_237 = arith.constant dense<0.000000e+00> : vector<2048xf32>
    %reduce_sum3A_238 = vector.multi_reduction <add>, %mul3A_236, %reduce_sum3A_237 [1] : vector<2048x8xf32> to vector<2048xf32>
    %broadcast_in_dim3A_239 = vector.shape_cast %reduce_sum3A_238 : vector<2048xf32> to vector<2048x1xf32>
    %convert_element_type3A_240 = arith.extui %eq3A_41 : vector<2048x8xi1> to vector<2048x8xi32>
    %convert_element_type3A_241 = arith.sitofp %convert_element_type3A_240 : vector<2048x8xi32> to vector<2048x8xf32>
    %mul3A_242 = vector.broadcast %min3A_64 : vector<1x8xf32> to vector<2048x8xf32>
    %mul3A_243 = arith.mulf %convert_element_type3A_241, %mul3A_242 : vector<2048x8xf32>
    %reduce_sum3A_244 = arith.constant dense<0.000000e+00> : vector<2048xf32>
    %reduce_sum3A_245 = vector.multi_reduction <add>, %mul3A_243, %reduce_sum3A_244 [1] : vector<2048x8xf32> to vector<2048xf32>
    %broadcast_in_dim3A_246 = vector.shape_cast %reduce_sum3A_245 : vector<2048xf32> to vector<2048x1xf32>
    %lt3A_247 = arith.cmpf olt, %broadcast_in_dim3A_232, %broadcast_in_dim3A_239 : vector<2048x1xf32>
    %and3A = arith.andi %not3A_147, %lt3A_247 : vector<2048x1xi1>
    %not3A_248 = arith.constant dense<true> : vector<2048x1xi1>
    %not3A_249 = arith.xori %and3A, %not3A_248 : vector<2048x1xi1>
    %and3A_250 = arith.andi %not3A_147, %not3A_249 : vector<2048x1xi1>
    %convert_element_type3A_251 = arith.extui %and3A_250 : vector<2048x1xi1> to vector<2048x1xi32>
    %convert_element_type3A_252 = arith.sitofp %convert_element_type3A_251 : vector<2048x1xi32> to vector<2048x1xf32>
    %iota3A_253 = tpu.iota {dimensions = array<i32: 0>} : vector<256x2048xi32>
    %add3A_254 = arith.constant 0 : i32
    %add3A_255 = vector.broadcast %add3A_254 : i32 to vector<256x2048xi32>
    %add3A_256 = arith.addi %iota3A_253, %add3A_255 : vector<256x2048xi32>
    %lt3A_257 = arith.cmpi slt, %iota3A_57, %add3A_256 : vector<256x2048xi32>
    %convert_element_type3A_258 = arith.extui %lt3A_257 : vector<256x2048xi1> to vector<256x2048xi32>
    %convert_element_type3A_259 = arith.sitofp %convert_element_type3A_258 : vector<256x2048xi32> to vector<256x2048xf32>
    %dot_general3A_260 = arith.constant dense<0.000000e+00> : vector<256x1xf32>
    %dot_general3A_261 = tpu.matmul %convert_element_type3A_259, %convert_element_type3A_252, %dot_general3A_260 {dimension_numbers = #tpu.dot_dimension_numbers<[1], [0], [0], [1], [0, 0, 1, 1], [], []>, transpose_lhs_hint = false} : vector<256x2048xf32>, vector<2048x1xf32>, vector<256x1xf32> -> vector<256x1xf32>
    %iota3A_262 = tpu.iota {dimensions = array<i32: 0>} : vector<256x2048xi32>
    %add3A_263 = arith.constant 256 : i32
    %add3A_264 = vector.broadcast %add3A_263 : i32 to vector<256x2048xi32>
    %add3A_265 = arith.addi %iota3A_262, %add3A_264 : vector<256x2048xi32>
    %lt3A_266 = arith.cmpi slt, %iota3A_57, %add3A_265 : vector<256x2048xi32>
    %convert_element_type3A_267 = arith.extui %lt3A_266 : vector<256x2048xi1> to vector<256x2048xi32>
    %convert_element_type3A_268 = arith.sitofp %convert_element_type3A_267 : vector<256x2048xi32> to vector<256x2048xf32>
    %dot_general3A_269 = arith.constant dense<0.000000e+00> : vector<256x1xf32>
    %dot_general3A_270 = tpu.matmul %convert_element_type3A_268, %convert_element_type3A_252, %dot_general3A_269 {dimension_numbers = #tpu.dot_dimension_numbers<[1], [0], [0], [1], [0, 0, 1, 1], [], []>, transpose_lhs_hint = false} : vector<256x2048xf32>, vector<2048x1xf32>, vector<256x1xf32> -> vector<256x1xf32>
    %iota3A_271 = tpu.iota {dimensions = array<i32: 0>} : vector<256x2048xi32>
    %add3A_272 = arith.constant 512 : i32
    %add3A_273 = vector.broadcast %add3A_272 : i32 to vector<256x2048xi32>
    %add3A_274 = arith.addi %iota3A_271, %add3A_273 : vector<256x2048xi32>
    %lt3A_275 = arith.cmpi slt, %iota3A_57, %add3A_274 : vector<256x2048xi32>
    %convert_element_type3A_276 = arith.extui %lt3A_275 : vector<256x2048xi1> to vector<256x2048xi32>
    %convert_element_type3A_277 = arith.sitofp %convert_element_type3A_276 : vector<256x2048xi32> to vector<256x2048xf32>
    %dot_general3A_278 = arith.constant dense<0.000000e+00> : vector<256x1xf32>
    %dot_general3A_279 = tpu.matmul %convert_element_type3A_277, %convert_element_type3A_252, %dot_general3A_278 {dimension_numbers = #tpu.dot_dimension_numbers<[1], [0], [0], [1], [0, 0, 1, 1], [], []>, transpose_lhs_hint = false} : vector<256x2048xf32>, vector<2048x1xf32>, vector<256x1xf32> -> vector<256x1xf32>
    %iota3A_280 = tpu.iota {dimensions = array<i32: 0>} : vector<256x2048xi32>
    %add3A_281 = arith.constant 768 : i32
    %add3A_282 = vector.broadcast %add3A_281 : i32 to vector<256x2048xi32>
    %add3A_283 = arith.addi %iota3A_280, %add3A_282 : vector<256x2048xi32>
    %lt3A_284 = arith.cmpi slt, %iota3A_57, %add3A_283 : vector<256x2048xi32>
    %convert_element_type3A_285 = arith.extui %lt3A_284 : vector<256x2048xi1> to vector<256x2048xi32>
    %convert_element_type3A_286 = arith.sitofp %convert_element_type3A_285 : vector<256x2048xi32> to vector<256x2048xf32>
    %dot_general3A_287 = arith.constant dense<0.000000e+00> : vector<256x1xf32>
    %dot_general3A_288 = tpu.matmul %convert_element_type3A_286, %convert_element_type3A_252, %dot_general3A_287 {dimension_numbers = #tpu.dot_dimension_numbers<[1], [0], [0], [1], [0, 0, 1, 1], [], []>, transpose_lhs_hint = false} : vector<256x2048xf32>, vector<2048x1xf32>, vector<256x1xf32> -> vector<256x1xf32>
    %iota3A_289 = tpu.iota {dimensions = array<i32: 0>} : vector<256x2048xi32>
    %add3A_290 = arith.constant 1024 : i32
    %add3A_291 = vector.broadcast %add3A_290 : i32 to vector<256x2048xi32>
    %add3A_292 = arith.addi %iota3A_289, %add3A_291 : vector<256x2048xi32>
    %lt3A_293 = arith.cmpi slt, %iota3A_57, %add3A_292 : vector<256x2048xi32>
    %convert_element_type3A_294 = arith.extui %lt3A_293 : vector<256x2048xi1> to vector<256x2048xi32>
    %convert_element_type3A_295 = arith.sitofp %convert_element_type3A_294 : vector<256x2048xi32> to vector<256x2048xf32>
    %dot_general3A_296 = arith.constant dense<0.000000e+00> : vector<256x1xf32>
    %dot_general3A_297 = tpu.matmul %convert_element_type3A_295, %convert_element_type3A_252, %dot_general3A_296 {dimension_numbers = #tpu.dot_dimension_numbers<[1], [0], [0], [1], [0, 0, 1, 1], [], []>, transpose_lhs_hint = false} : vector<256x2048xf32>, vector<2048x1xf32>, vector<256x1xf32> -> vector<256x1xf32>
    %iota3A_298 = tpu.iota {dimensions = array<i32: 0>} : vector<256x2048xi32>
    %add3A_299 = arith.constant 1280 : i32
    %add3A_300 = vector.broadcast %add3A_299 : i32 to vector<256x2048xi32>
    %add3A_301 = arith.addi %iota3A_298, %add3A_300 : vector<256x2048xi32>
    %lt3A_302 = arith.cmpi slt, %iota3A_57, %add3A_301 : vector<256x2048xi32>
    %convert_element_type3A_303 = arith.extui %lt3A_302 : vector<256x2048xi1> to vector<256x2048xi32>
    %convert_element_type3A_304 = arith.sitofp %convert_element_type3A_303 : vector<256x2048xi32> to vector<256x2048xf32>
    %dot_general3A_305 = arith.constant dense<0.000000e+00> : vector<256x1xf32>
    %dot_general3A_306 = tpu.matmul %convert_element_type3A_304, %convert_element_type3A_252, %dot_general3A_305 {dimension_numbers = #tpu.dot_dimension_numbers<[1], [0], [0], [1], [0, 0, 1, 1], [], []>, transpose_lhs_hint = false} : vector<256x2048xf32>, vector<2048x1xf32>, vector<256x1xf32> -> vector<256x1xf32>
    %iota3A_307 = tpu.iota {dimensions = array<i32: 0>} : vector<256x2048xi32>
    %add3A_308 = arith.constant 1536 : i32
    %add3A_309 = vector.broadcast %add3A_308 : i32 to vector<256x2048xi32>
    %add3A_310 = arith.addi %iota3A_307, %add3A_309 : vector<256x2048xi32>
    %lt3A_311 = arith.cmpi slt, %iota3A_57, %add3A_310 : vector<256x2048xi32>
    %convert_element_type3A_312 = arith.extui %lt3A_311 : vector<256x2048xi1> to vector<256x2048xi32>
    %convert_element_type3A_313 = arith.sitofp %convert_element_type3A_312 : vector<256x2048xi32> to vector<256x2048xf32>
    %dot_general3A_314 = arith.constant dense<0.000000e+00> : vector<256x1xf32>
    %dot_general3A_315 = tpu.matmul %convert_element_type3A_313, %convert_element_type3A_252, %dot_general3A_314 {dimension_numbers = #tpu.dot_dimension_numbers<[1], [0], [0], [1], [0, 0, 1, 1], [], []>, transpose_lhs_hint = false} : vector<256x2048xf32>, vector<2048x1xf32>, vector<256x1xf32> -> vector<256x1xf32>
    %iota3A_316 = tpu.iota {dimensions = array<i32: 0>} : vector<256x2048xi32>
    %add3A_317 = arith.constant 1792 : i32
    %add3A_318 = vector.broadcast %add3A_317 : i32 to vector<256x2048xi32>
    %add3A_319 = arith.addi %iota3A_316, %add3A_318 : vector<256x2048xi32>
    %lt3A_320 = arith.cmpi slt, %iota3A_57, %add3A_319 : vector<256x2048xi32>
    %convert_element_type3A_321 = arith.extui %lt3A_320 : vector<256x2048xi1> to vector<256x2048xi32>
    %convert_element_type3A_322 = arith.sitofp %convert_element_type3A_321 : vector<256x2048xi32> to vector<256x2048xf32>
    %dot_general3A_323 = arith.constant dense<0.000000e+00> : vector<256x1xf32>
    %dot_general3A_324 = tpu.matmul %convert_element_type3A_322, %convert_element_type3A_252, %dot_general3A_323 {dimension_numbers = #tpu.dot_dimension_numbers<[1], [0], [0], [1], [0, 0, 1, 1], [], []>, transpose_lhs_hint = false} : vector<256x2048xf32>, vector<2048x1xf32>, vector<256x1xf32> -> vector<256x1xf32>
    %concatenate3A_325 = tpu.concatenate %dot_general3A_261, %dot_general3A_270, %dot_general3A_279, %dot_general3A_288, %dot_general3A_297, %dot_general3A_306, %dot_general3A_315, %dot_general3A_324 in 0 : vector<256x1xf32>, vector<256x1xf32>, vector<256x1xf32>, vector<256x1xf32>, vector<256x1xf32>, vector<256x1xf32>, vector<256x1xf32>, vector<256x1xf32> -> vector<2048x1xf32>
    %mul3A_326 = arith.constant 256 : i32
    %mul3A_327 = vector.broadcast %mul3A_326 : i32 to vector<2048x1xi32>
    %mul3A_328 = arith.muli %broadcast_in_dim3A_23, %mul3A_327 : vector<2048x1xi32>
    %convert_element_type3A_329 = arith.fptosi %broadcast_in_dim3A_143 : vector<2048x1xf32> to vector<2048x1xi32>
    %add3A_330 = arith.addi %mul3A_328, %convert_element_type3A_329 : vector<2048x1xi32>
    %mul3A_331 = arith.constant 256 : i32
    %mul3A_332 = vector.broadcast %mul3A_331 : i32 to vector<2048x1xi32>
    %mul3A_333 = arith.muli %broadcast_in_dim3A_39, %mul3A_332 : vector<2048x1xi32>
    %add3A_334 = arith.addf %broadcast_in_dim3A_246, %broadcast_in_dim3A_232 : vector<2048x1xf32>
    %convert_element_type3A_335 = arith.fptosi %add3A_334 : vector<2048x1xf32> to vector<2048x1xi32>
    %add3A_336 = arith.addi %mul3A_333, %convert_element_type3A_335 : vector<2048x1xi32>
    %convert_element_type3A_337 = arith.fptosi %concatenate3A_325 : vector<2048x1xf32> to vector<2048x1xi32>
    %add3A_338 = arith.constant 2048 : i32
    %add3A_339 = vector.broadcast %add3A_338 : i32 to vector<2048x1xi32>
    %add3A_340 = arith.addi %add3A_339, %convert_element_type3A_337 : vector<2048x1xi32>
    %select_n3A_341 = arith.select %and3A, %add3A_336, %add3A_340 : vector<2048x1xi1>, vector<2048x1xi32>
    %select_n3A_342 = arith.select %lt3A_146, %add3A_330, %select_n3A_341 : vector<2048x1xi1>, vector<2048x1xi32>
    %swap3A_343 = arith.constant 0 : index
    %swap3A_344 = arith.constant 0 : index
    %swap3A_345 = vector.load %arg6[%swap3A_343, %swap3A_344] : memref<2048x1xi32, #tpu.memory_space<vmem>>, vector<2048x1xi32>
    tpu.vector_store %arg6[%swap3A_343, %swap3A_344], %select_n3A_342 {strides = array<i32>} : memref<2048x1xi32, #tpu.memory_space<vmem>>, vector<2048x1xi32>,
    %convert_element_type3A_346 = arith.extui %and3A : vector<2048x1xi1> to vector<2048x1xi32>
    %convert_element_type3A_347 = arith.sitofp %convert_element_type3A_346 : vector<2048x1xi32> to vector<2048x1xf32>
    %mul3A_348 = vector.broadcast %convert_element_type3A_347 : vector<2048x1xf32> to vector<2048x8xf32>
    %mul3A_349 = arith.mulf %mul3A_153, %mul3A_348 : vector<2048x8xf32>
    %reduce_sum3A_350 = arith.constant dense<0.000000e+00> : vector<8xf32>
    %reduce_sum3A_351 = vector.multi_reduction <add>, %mul3A_349, %reduce_sum3A_350 [0] : vector<2048x8xf32> to vector<8xf32>
    %broadcast_in_dim3A_352 = vector.shape_cast %reduce_sum3A_351 : vector<8xf32> to vector<1x8xf32>
    %add3A_353 = arith.addf %min3A_64, %broadcast_in_dim3A_352 : vector<1x8xf32>
    %div3A_354 = arith.constant 2.048000e+03 : f32
    %div3A_355 = vector.broadcast %div3A_354 : f32 to vector<1x8xf32>
    %div3A_356 = arith.divf %add3A_353, %div3A_355 : vector<1x8xf32>
    %reduce_sum3A_357 = arith.constant dense<0.000000e+00> : vector<8xf32>
    %reduce_sum3A_358 = vector.multi_reduction <add>, %div3A_50, %reduce_sum3A_357 [0] : vector<2048x8xf32> to vector<8xf32>
    %broadcast_in_dim3A_359 = vector.shape_cast %reduce_sum3A_358 : vector<8xf32> to vector<1x8xf32>
    %div3A_360 = arith.constant 2.048000e+03 : f32
    %div3A_361 = vector.broadcast %div3A_360 : f32 to vector<1x8xf32>
    %div3A_362 = arith.divf %broadcast_in_dim3A_359, %div3A_361 : vector<1x8xf32>
    %reduce_sum3A_363 = arith.constant dense<0.000000e+00> : vector<1xf32>
    %reduce_sum3A_364 = vector.multi_reduction <add>, %convert_element_type3A_252, %reduce_sum3A_363 [0] : vector<2048x1xf32> to vector<1xf32>
    %broadcast_in_dim3A_365 = vector.shape_cast %reduce_sum3A_364 : vector<1xf32> to vector<1x1xf32>
    %broadcast_in_dim3A_366 = vector.shape_cast %broadcast_in_dim3A_365 : vector<1x1xf32> to vector<1x1xf32>
    %broadcast_in_dim3A_367 = vector.broadcast %broadcast_in_dim3A_366 : vector<1x1xf32> to vector<1x8xf32>
    %broadcast_in_dim3A_368 = arith.constant 0.000000e+00 : f32
    %broadcast_in_dim3A_369 = vector.broadcast %broadcast_in_dim3A_368 : f32 to vector<5x8xf32>
    %concatenate3A_370 = tpu.concatenate %div3A_356, %div3A_362, %broadcast_in_dim3A_367, %broadcast_in_dim3A_369 in 0 : vector<1x8xf32>, vector<1x8xf32>, vector<1x8xf32>, vector<5x8xf32> -> vector<8x8xf32>
    %swap3A_371 = arith.constant 0 : index
    %swap3A_372 = arith.constant 0 : index
    %swap3A_373 = vector.load %arg7[%swap3A_371, %swap3A_372] : memref<8x8xf32, #tpu.memory_space<vmem>>, vector<8x8xf32>
    tpu.vector_store %arg7[%swap3A_371, %swap3A_372], %concatenate3A_370 {strides = array<i32>} : memref<8x8xf32, #tpu.memory_space<vmem>>, vector<8x8xf32>,
    return
  }
}

module attributes {stable_mosaic.version = 14 : i64} {
  func.func @_ffn_body(%arg0: i32, %arg1: i32, %arg2: memref<1x8xi32, #tpu.memory_space<smem>>, %arg3: memref<256x768xf32, #tpu.memory_space<vmem>>, %arg4: memref<1x768x1536xf32, #tpu.memory_space<vmem>>, %arg5: memref<1x1x1536xf32, #tpu.memory_space<vmem>>, %arg6: memref<1x1536x768xf32, #tpu.memory_space<vmem>>, %arg7: memref<1x1x768xf32, #tpu.memory_space<vmem>>, %arg8: memref<768x1536xf32, #tpu.memory_space<vmem>>, %arg9: memref<1x1536xf32, #tpu.memory_space<vmem>>, %arg10: memref<1536x768xf32, #tpu.memory_space<vmem>>, %arg11: memref<1x768xf32, #tpu.memory_space<vmem>>, %arg12: memref<256x768xf32, #tpu.memory_space<vmem>>) attributes {dimension_semantics = [#tpu.dimension_semantics<arbitrary>, #tpu.dimension_semantics<arbitrary>], iteration_bounds = array<i64: 16, 2>, scalar_prefetch = 0 : i64, scratch_operands = 0 : i64, tpu.core_type = #tpu.core_type<tc>, window_params = [{transform_indices = @transform_0, window_bounds = array<i64: 1, 8>}, {transform_indices = @transform_1, window_bounds = array<i64: 256, 768>}, {transform_indices = @transform_2, window_bounds = array<i64: 1, 768, 1536>}, {transform_indices = @transform_3, window_bounds = array<i64: 1, 1, 1536>}, {transform_indices = @transform_4, window_bounds = array<i64: 1, 1536, 768>}, {transform_indices = @transform_5, window_bounds = array<i64: 1, 1, 768>}, {transform_indices = @transform_6, window_bounds = array<i64: 768, 1536>}, {transform_indices = @transform_7, window_bounds = array<i64: 1, 1536>}, {transform_indices = @transform_8, window_bounds = array<i64: 1536, 768>}, {pipeline_mode = #tpu.pipeline_mode<synchronous>, transform_indices = @transform_9, window_bounds = array<i64: 1, 768>}, {transform_indices = @transform_10, window_bounds = array<i64: 256, 768>}]} {
    %lt3A = arith.constant 8 : i32
    %lt3A_0 = arith.cmpi slt, %arg0, %lt3A : i32
    %sub3A = arith.constant 8 : i32
    %sub3A_1 = arith.subi %arg0, %sub3A : i32
    %mul3A = arith.constant 256 : i32
    %mul3A_2 = arith.muli %sub3A_1, %mul3A : i32
    %get3A = arith.constant 0 : index
    %get3A_3 = arith.constant 0 : index
    %get3A_4 = memref.load %arg2[%get3A, %get3A_3] : memref<1x8xi32, #tpu.memory_space<smem>>
    %lt3A_5 = arith.cmpi slt, %mul3A_2, %get3A_4 : i32
    %or3A = arith.ori %lt3A_0, %lt3A_5 : i1
    %and3A = arith.andi %or3A, %lt3A_0 : i1
    %convert_element_type3A = arith.extui %and3A : i1 to i32
    %cond3A = arith.constant 0 : i32
    %cond3A_6 = arith.cmpi ne, %convert_element_type3A, %cond3A : i32
    scf.if %cond3A_6 {
      %get3A_12 = arith.constant 0 : index
      %get3A_13 = arith.constant 0 : index
      %get3A_14 = arith.constant 0 : index
      %get3A_15 = vector.load %arg4[%get3A_12, %get3A_13, %get3A_14] : memref<1x768x1536xf32, #tpu.memory_space<vmem>>, vector<1x768x1536xf32>
      %get3A_16 = vector.shape_cast %get3A_15 : vector<1x768x1536xf32> to vector<768x1536xf32>
      %get3A_17 = arith.constant 0 : index
      %get3A_18 = arith.constant 0 : index
      %get3A_19 = arith.constant 0 : index
      %get3A_20 = vector.load %arg5[%get3A_17, %get3A_18, %get3A_19] : memref<1x1x1536xf32, #tpu.memory_space<vmem>>, vector<1x1x1536xf32>
      %get3A_21 = vector.shape_cast %get3A_20 : vector<1x1x1536xf32> to vector<1x1536xf32>
      %get3A_22 = arith.constant 0 : index
      %get3A_23 = arith.constant 0 : index
      %get3A_24 = arith.constant 0 : index
      %get3A_25 = vector.load %arg6[%get3A_22, %get3A_23, %get3A_24] : memref<1x1536x768xf32, #tpu.memory_space<vmem>>, vector<1x1536x768xf32>
      %get3A_26 = vector.shape_cast %get3A_25 : vector<1x1536x768xf32> to vector<1536x768xf32>
      %get3A_27 = arith.constant 0 : index
      %get3A_28 = arith.constant 0 : index
      %get3A_29 = arith.constant 0 : index
      %get3A_30 = vector.load %arg7[%get3A_27, %get3A_28, %get3A_29] : memref<1x1x768xf32, #tpu.memory_space<vmem>>, vector<1x1x768xf32>
      %get3A_31 = vector.shape_cast %get3A_30 : vector<1x1x768xf32> to vector<1x768xf32>
      %get3A_32 = arith.constant 0 : index
      %get3A_33 = arith.constant 0 : index
      %get3A_34 = vector.load %arg3[%get3A_32, %get3A_33] : memref<256x768xf32, #tpu.memory_space<vmem>>, vector<256x768xf32>
      %dot_general3A = arith.constant dense<0.000000e+00> : vector<256x1536xf32>
      %dot_general3A_35 = tpu.matmul %get3A_34, %get3A_16, %dot_general3A {dimension_numbers = #tpu.dot_dimension_numbers<[1], [0], [0], [1], [0, 0, 1, 1], [], []>, transpose_lhs_hint = false} : vector<256x768xf32>, vector<768x1536xf32>, vector<256x1536xf32> -> vector<256x1536xf32>
      %add3A = vector.broadcast %get3A_21 : vector<1x1536xf32> to vector<256x1536xf32>
      %add3A_36 = arith.addf %dot_general3A_35, %add3A : vector<256x1536xf32>
      %mul3A_37 = arith.constant 5.000000e-01 : f32
      %mul3A_38 = vector.broadcast %mul3A_37 : f32 to vector<256x1536xf32>
      %mul3A_39 = arith.mulf %mul3A_38, %add3A_36 : vector<256x1536xf32>
      %div3A = arith.constant 1.41421354 : f32
      %div3A_40 = vector.broadcast %div3A : f32 to vector<256x1536xf32>
      %div3A_41 = arith.divf %add3A_36, %div3A_40 : vector<256x1536xf32>
      %erf3A = math.erf %div3A_41 : vector<256x1536xf32>
      %add3A_42 = arith.constant 1.000000e+00 : f32
      %add3A_43 = vector.broadcast %add3A_42 : f32 to vector<256x1536xf32>
      %add3A_44 = arith.addf %add3A_43, %erf3A : vector<256x1536xf32>
      %mul3A_45 = arith.mulf %mul3A_39, %add3A_44 : vector<256x1536xf32>
      %dot_general3A_46 = arith.constant dense<0.000000e+00> : vector<256x768xf32>
      %dot_general3A_47 = tpu.matmul %mul3A_45, %get3A_26, %dot_general3A_46 {dimension_numbers = #tpu.dot_dimension_numbers<[1], [0], [0], [1], [0, 0, 1, 1], [], []>, transpose_lhs_hint = false} : vector<256x1536xf32>, vector<1536x768xf32>, vector<256x768xf32> -> vector<256x768xf32>
      %eq3A = arith.constant 0 : i32
      %eq3A_48 = arith.cmpi eq, %arg1, %eq3A : i32
      %convert_element_type3A_49 = arith.extui %eq3A_48 : i1 to i32
      %cond3A_50 = arith.constant 0 : i32
      %cond3A_51 = arith.cmpi ne, %convert_element_type3A_49, %cond3A_50 : i32
      scf.if %cond3A_51 {
        %add3A_57 = vector.broadcast %get3A_31 : vector<1x768xf32> to vector<256x768xf32>
        %add3A_58 = arith.addf %dot_general3A_47, %add3A_57 : vector<256x768xf32>
        %swap3A = arith.constant 0 : index
        %swap3A_59 = arith.constant 0 : index
        %swap3A_60 = vector.load %arg12[%swap3A, %swap3A_59] : memref<256x768xf32, #tpu.memory_space<vmem>>, vector<256x768xf32>
        tpu.vector_store %arg12[%swap3A, %swap3A_59], %add3A_58 {strides = array<i32>} : memref<256x768xf32, #tpu.memory_space<vmem>>, vector<256x768xf32>,
      } else {
      }
      %eq3A_52 = arith.constant 1 : i32
      %eq3A_53 = arith.cmpi eq, %arg1, %eq3A_52 : i32
      %convert_element_type3A_54 = arith.extui %eq3A_53 : i1 to i32
      %cond3A_55 = arith.constant 0 : i32
      %cond3A_56 = arith.cmpi ne, %convert_element_type3A_54, %cond3A_55 : i32
      scf.if %cond3A_56 {
        %get3A_57 = arith.constant 0 : index
        %get3A_58 = arith.constant 0 : index
        %get3A_59 = vector.load %arg12[%get3A_57, %get3A_58] : memref<256x768xf32, #tpu.memory_space<vmem>>, vector<256x768xf32>
        %add3A_60 = arith.addf %get3A_59, %dot_general3A_47 : vector<256x768xf32>
        %swap3A = arith.constant 0 : index
        %swap3A_61 = arith.constant 0 : index
        %swap3A_62 = vector.load %arg12[%swap3A, %swap3A_61] : memref<256x768xf32, #tpu.memory_space<vmem>>, vector<256x768xf32>
        tpu.vector_store %arg12[%swap3A, %swap3A_61], %add3A_60 {strides = array<i32>} : memref<256x768xf32, #tpu.memory_space<vmem>>, vector<256x768xf32>,
      } else {
      }
    } else {
    }
    %not3A = arith.constant true
    %not3A_7 = arith.xori %lt3A_0, %not3A : i1
    %and3A_8 = arith.andi %or3A, %not3A_7 : i1
    %convert_element_type3A_9 = arith.extui %and3A_8 : i1 to i32
    %cond3A_10 = arith.constant 0 : i32
    %cond3A_11 = arith.cmpi ne, %convert_element_type3A_9, %cond3A_10 : i32
    scf.if %cond3A_11 {
      %get3A_12 = arith.constant 0 : index
      %get3A_13 = arith.constant 0 : index
      %get3A_14 = vector.load %arg8[%get3A_12, %get3A_13] : memref<768x1536xf32, #tpu.memory_space<vmem>>, vector<768x1536xf32>
      %get3A_15 = arith.constant 0 : index
      %get3A_16 = arith.constant 0 : index
      %get3A_17 = vector.load %arg9[%get3A_15, %get3A_16] : memref<1x1536xf32, #tpu.memory_space<vmem>>, vector<1x1536xf32>
      %get3A_18 = arith.constant 0 : index
      %get3A_19 = arith.constant 0 : index
      %get3A_20 = vector.load %arg10[%get3A_18, %get3A_19] : memref<1536x768xf32, #tpu.memory_space<vmem>>, vector<1536x768xf32>
      %get3A_21 = arith.constant 0 : index
      %get3A_22 = arith.constant 0 : index
      %get3A_23 = vector.load %arg11[%get3A_21, %get3A_22] : memref<1x768xf32, #tpu.memory_space<vmem>>, vector<1x768xf32>
      %get3A_24 = arith.constant 0 : index
      %get3A_25 = arith.constant 0 : index
      %get3A_26 = vector.load %arg3[%get3A_24, %get3A_25] : memref<256x768xf32, #tpu.memory_space<vmem>>, vector<256x768xf32>
      %dot_general3A = arith.constant dense<0.000000e+00> : vector<256x1536xf32>
      %dot_general3A_27 = tpu.matmul %get3A_26, %get3A_14, %dot_general3A {dimension_numbers = #tpu.dot_dimension_numbers<[1], [0], [0], [1], [0, 0, 1, 1], [], []>, transpose_lhs_hint = false} : vector<256x768xf32>, vector<768x1536xf32>, vector<256x1536xf32> -> vector<256x1536xf32>
      %add3A = vector.broadcast %get3A_17 : vector<1x1536xf32> to vector<256x1536xf32>
      %add3A_28 = arith.addf %dot_general3A_27, %add3A : vector<256x1536xf32>
      %mul3A_29 = arith.constant 5.000000e-01 : f32
      %mul3A_30 = vector.broadcast %mul3A_29 : f32 to vector<256x1536xf32>
      %mul3A_31 = arith.mulf %mul3A_30, %add3A_28 : vector<256x1536xf32>
      %div3A = arith.constant 1.41421354 : f32
      %div3A_32 = vector.broadcast %div3A : f32 to vector<256x1536xf32>
      %div3A_33 = arith.divf %add3A_28, %div3A_32 : vector<256x1536xf32>
      %erf3A = math.erf %div3A_33 : vector<256x1536xf32>
      %add3A_34 = arith.constant 1.000000e+00 : f32
      %add3A_35 = vector.broadcast %add3A_34 : f32 to vector<256x1536xf32>
      %add3A_36 = arith.addf %add3A_35, %erf3A : vector<256x1536xf32>
      %mul3A_37 = arith.mulf %mul3A_31, %add3A_36 : vector<256x1536xf32>
      %dot_general3A_38 = arith.constant dense<0.000000e+00> : vector<256x768xf32>
      %dot_general3A_39 = tpu.matmul %mul3A_37, %get3A_20, %dot_general3A_38 {dimension_numbers = #tpu.dot_dimension_numbers<[1], [0], [0], [1], [0, 0, 1, 1], [], []>, transpose_lhs_hint = false} : vector<256x1536xf32>, vector<1536x768xf32>, vector<256x768xf32> -> vector<256x768xf32>
      %eq3A = arith.constant 0 : i32
      %eq3A_40 = arith.cmpi eq, %arg1, %eq3A : i32
      %convert_element_type3A_41 = arith.extui %eq3A_40 : i1 to i32
      %cond3A_42 = arith.constant 0 : i32
      %cond3A_43 = arith.cmpi ne, %convert_element_type3A_41, %cond3A_42 : i32
      scf.if %cond3A_43 {
        %add3A_49 = vector.broadcast %get3A_23 : vector<1x768xf32> to vector<256x768xf32>
        %add3A_50 = arith.addf %dot_general3A_39, %add3A_49 : vector<256x768xf32>
        %swap3A = arith.constant 0 : index
        %swap3A_51 = arith.constant 0 : index
        %swap3A_52 = vector.load %arg12[%swap3A, %swap3A_51] : memref<256x768xf32, #tpu.memory_space<vmem>>, vector<256x768xf32>
        tpu.vector_store %arg12[%swap3A, %swap3A_51], %add3A_50 {strides = array<i32>} : memref<256x768xf32, #tpu.memory_space<vmem>>, vector<256x768xf32>,
      } else {
      }
      %eq3A_44 = arith.constant 1 : i32
      %eq3A_45 = arith.cmpi eq, %arg1, %eq3A_44 : i32
      %convert_element_type3A_46 = arith.extui %eq3A_45 : i1 to i32
      %cond3A_47 = arith.constant 0 : i32
      %cond3A_48 = arith.cmpi ne, %convert_element_type3A_46, %cond3A_47 : i32
      scf.if %cond3A_48 {
        %get3A_49 = arith.constant 0 : index
        %get3A_50 = arith.constant 0 : index
        %get3A_51 = vector.load %arg12[%get3A_49, %get3A_50] : memref<256x768xf32, #tpu.memory_space<vmem>>, vector<256x768xf32>
        %add3A_52 = arith.addf %get3A_51, %dot_general3A_39 : vector<256x768xf32>
        %swap3A = arith.constant 0 : index
        %swap3A_53 = arith.constant 0 : index
        %swap3A_54 = vector.load %arg12[%swap3A, %swap3A_53] : memref<256x768xf32, #tpu.memory_space<vmem>>, vector<256x768xf32>
        tpu.vector_store %arg12[%swap3A, %swap3A_53], %add3A_52 {strides = array<i32>} : memref<256x768xf32, #tpu.memory_space<vmem>>, vector<256x768xf32>,
      } else {
      }
    } else {
    }
    return
  }
  func.func @transform_0(%arg0: i32, %arg1: i32) -> (i32, i32) {
    %c0_i32 = arith.constant 0 : i32
    %c0_i32_0 = arith.constant 0 : i32
    %c0_i32_1 = arith.constant 0 : i32
    return %c0_i32, %c0_i32_0 : i32, i32
  }
  func.func @transform_1(%arg0: i32, %arg1: i32) -> (i32, i32) {
    %c0_i32 = arith.constant 0 : i32
    %c0_i32_0 = arith.constant 0 : i32
    return %arg0, %c0_i32 : i32, i32
  }
  func.func @transform_2(%arg0: i32, %arg1: i32) -> (i32, i32, i32) {
    %min3A = arith.constant 7 : i32
    %min3A_0 = arith.minsi %arg0, %min3A : i32
    %c0_i32 = arith.constant 0 : i32
    %c0_i32_1 = arith.constant 0 : i32
    return %min3A_0, %c0_i32, %arg1 : i32, i32, i32
  }
  func.func @transform_3(%arg0: i32, %arg1: i32) -> (i32, i32, i32) {
    %min3A = arith.constant 7 : i32
    %min3A_0 = arith.minsi %arg0, %min3A : i32
    %c0_i32 = arith.constant 0 : i32
    %c0_i32_1 = arith.constant 0 : i32
    return %min3A_0, %c0_i32, %arg1 : i32, i32, i32
  }
  func.func @transform_4(%arg0: i32, %arg1: i32) -> (i32, i32, i32) {
    %min3A = arith.constant 7 : i32
    %min3A_0 = arith.minsi %arg0, %min3A : i32
    %c0_i32 = arith.constant 0 : i32
    %c0_i32_1 = arith.constant 0 : i32
    return %min3A_0, %arg1, %c0_i32 : i32, i32, i32
  }
  func.func @transform_5(%arg0: i32, %arg1: i32) -> (i32, i32, i32) {
    %min3A = arith.constant 7 : i32
    %min3A_0 = arith.minsi %arg0, %min3A : i32
    %c0_i32 = arith.constant 0 : i32
    %c0_i32_1 = arith.constant 0 : i32
    %c0_i32_2 = arith.constant 0 : i32
    return %min3A_0, %c0_i32, %c0_i32_1 : i32, i32, i32
  }
  func.func @transform_6(%arg0: i32, %arg1: i32) -> (i32, i32) {
    %c0_i32 = arith.constant 0 : i32
    %c0_i32_0 = arith.constant 0 : i32
    return %c0_i32, %arg1 : i32, i32
  }
  func.func @transform_7(%arg0: i32, %arg1: i32) -> (i32, i32) {
    %c0_i32 = arith.constant 0 : i32
    %c0_i32_0 = arith.constant 0 : i32
    return %c0_i32, %arg1 : i32, i32
  }
  func.func @transform_8(%arg0: i32, %arg1: i32) -> (i32, i32) {
    %c0_i32 = arith.constant 0 : i32
    %c0_i32_0 = arith.constant 0 : i32
    return %arg1, %c0_i32 : i32, i32
  }
  func.func @transform_9(%arg0: i32, %arg1: i32) -> (i32, i32) {
    %c0_i32 = arith.constant 0 : i32
    %c0_i32_0 = arith.constant 0 : i32
    %c0_i32_1 = arith.constant 0 : i32
    return %c0_i32, %c0_i32_0 : i32, i32
  }
  func.func @transform_10(%arg0: i32, %arg1: i32) -> (i32, i32) {
    %c0_i32 = arith.constant 0 : i32
    %c0_i32_0 = arith.constant 0 : i32
    return %arg0, %c0_i32 : i32, i32
  }
}

</mosaic_0001>

<sc_bundles>
// kernel: kernel.6.cloned.1.call-start
scs
__scs_entry_jumppad:
0x0: {  	(pc) =	sbr.rel $0x88, $3  }
0x1: {  	(tag) =	ssettag $0x0;
	lr =	simm.s32 $0x1  }
0x2: {  	[smem:$0x3F96] =	sst lr;
	_ =	strace $0xD0000000  }
0x3: {  	_ = 	snop  }
0x4: {  	_ = 	snop  }
0x5: {  	_ = 	snop  }
0x6: {  	_ = 	snop  }
0x7: {  	_ = 	snop  }
__scs_overlays_trampoline_lowered:
0x8: {  	[smem:$0x3FA5] =	sst s0  }
0x9: {  	[smem:$0x3FA6] =	sst s1  }
0xa: {  	[smem:$0x3FA7] =	sst s2  }
0xb: {  	[smem:$0x3FA8] =	sst s3  }
0xc: {  	[smem:$0x3FA9] =	sst s4  }
0xd: {  	[smem:$0x3FAA] =	sst s5  }
0xe: {  	[smem:$0x3FAB] =	sst s6  }
0xf: {  	[smem:$0x3FAC] =	sst s7  }
0x10: {  	[smem:$0x3FAD] =	sst s8  }
0x11: {  	[smem:$0x3FAE] =	sst s9;
	s0 =	simm.s32 @!p0 $0x0  }
0x12: {  	s1 =	sld [smem:$0x3F94];
	s0 =	simm.s32 @p0 $0x1  }
0x13: {  	[smem:$0x3FAF] =	sst s0;
	s0 =	simm.s32 @!p1 $0x0  }
0x14: {  	s2 =	sld [smem:$0x3F93];
	s0 =	simm.s32 @p1 $0x1  }
0x15: {  	[smem:$0x3FB0] =	sst s0;
	s0 =	simm.s32 @!p2 $0x0  }
0x16: {  	s3 =	sld [smem:$0x3FDB];
	s0 =	simm.s32 @p2 $0x1  }
0x17: {  	s4 =	simm.s32 $0x1BF5;
	[smem:$0x3FB2] =	sst s0  }
0x18: {  	s0 =	sld [smem:$0x3F95];
	_ =	swait.ge [sflag:s4], $0x0  }
0x19: {  	s7 =	sld [smem:$0x3F96]  }
0x1a: {  	s8 =	sadd.s32 $0xFFFFE003, lr  }
0x1b: {  	s9 =	sadd.s32 $0xFFFFFEF7, lr;
	s5 =	simm.s32 $0xFFFFFFFF;
	p2 =	slt.u32 s8, $0xFFFFF086  }
0x1c: {  	p1 =	slt.u32 s9, $0xF7A;
	s5 =	simm.s32 @!p2 $0x0  }
0x1d: {  	s5 =	simm.s32 @p1 $0x1;
	p0 =	seq.s32 s7, s2  }
0x1e: {  	s7 =	smul.u32 @!p0 $0xF7A, s2;
	p2 =	seq.s32 @!p0 s5, $0x0  }
0x1f: {  	s9 =	smul.u32 $0xF7A, s1;
	s8 =	simm.s32 @!p0 $0x1BF5;
	p2 =	por !p2, p0  }
0x20: {  	[sflag:s8] =	ssyncset.s32 @!p0 $0xFFFFF086;
	s6 =	sadd.s32 @!p0 s3, s7;
	s7 =	simm.s32 @!p0 $0x108  }
0x21: {  	s3 =	sadd.s32 s3, s9;
	s6 =	sadd.s32 @!p0 $0x88, s6;
	s7 =	simm.s32 @p2 $0x1082  }
0x22: {  	[simem:s7], [sflag:s8] =	dma.local @!p0 [hbm:s6], $0xF7A  }
0x23: {  	s9 =	sor.u32 $0xD0000000, s2;
	s6 =	simm.s32 $0x108;
	_ =	swait.ge @!p0 [sflag:s8], $0x0  }
0x24: {  	s3 =	sadd.s32 $0x88, s3;
	s6 =	simm.s32 @!p1 $0x1082;
	[sflag:s4] =	ssyncset.s32 $0xFFFFF086  }
0x25: {  	[simem:s6], [sflag:s4] =	dma.local [hbm:s3], $0xF7A  }
0x26: {  	[smem:$0x3F96] =	sst s1;
	(tag) =	ssettag s2;
	_ =	strace s9  }
0x27: {  	s1 =	sld [smem:$0x3FA6]  }
0x28: {  	s2 =	sld [smem:$0x3FA7]  }
0x29: {  	s4 =	sld [smem:$0x3FA9]  }
0x2a: {  	p0 =	seq.s32 s5, $0x0;
	s5 =	sld [smem:$0x3FAA]  }
0x2b: {  	s6 =	sld [smem:$0x3FAB]  }
0x2c: {  	s7 =	sld [smem:$0x3FAC]  }
0x2d: {  	s3 =	simm.s32 $0x108;
	s8 =	sld [smem:$0x3FAD]  }
0x2e: {  	s3 =	simm.s32 @!p0 $0x1082;
	s9 =	sld [smem:$0x3FAE]  }
0x2f: {  	lr =	sadd.s32 s0, s3;
	s0 =	sld [smem:$0x3FA5]  }
0x30: {  	s3 =	sld [smem:$0x3FA8]  }
0x31: {  	[smem:$0x3FB1] =	sst s10  }
0x32: {  	s10 =	sld [smem:$0x3FAF];
	_ =	sdelay $0x3  }
0x33: {  	p0 =	seq.s32 s10, $0x1;
	s10 =	sld [smem:$0x3FB1];
	_ =	sdelay $0x3  }
0x34: {  	[smem:$0x3FB1] =	sst s10  }
0x35: {  	s10 =	sld [smem:$0x3FB0];
	_ =	sdelay $0x3  }
0x36: {  	p1 =	seq.s32 s10, $0x1;
	s10 =	sld [smem:$0x3FB1];
	_ =	sdelay $0x3  }
0x37: {  	[smem:$0x3FB1] =	sst s10  }
0x38: {  	s10 =	sld [smem:$0x3FB2]  }
0x39: {  	_ = 	snop;
	(pc) =	sbr.ind lr, $3  }
0x3a: {  	_ = 	snop  }
0x3b: {  	_ = 	snop  }
0x3c: {  	p2 =	seq.s32 s10, $0x1;
	s10 =	sld [smem:$0x3FB1]  }
0x3d: {  	_ =	shalt  }
0x3e: {  	_ =	shalt  }
0x3f: {  	_ =	shalt  }
0x40: {  	_ =	shalt  }
0x41: {  	_ =	shalt  }
0x42: {  	_ =	shalt  }
0x43: {  	_ =	shalt  }
0x44: {  	_ =	shalt  }
0x45: {  	_ =	shalt  }
0x46: {  	_ =	shalt  }
0x47: {  	_ =	shalt  }
0x48: {  	_ =	shalt  }
0x49: {  	_ =	shalt  }
0x4a: {  	_ =	shalt  }
0x4b: {  	_ =	shalt  }
0x4c: {  	_ =	shalt  }
0x4d: {  	_ =	shalt  }
0x4e: {  	_ =	shalt  }
0x4f: {  	_ =	shalt  }
0x50: {  	_ =	shalt  }
0x51: {  	_ =	shalt  }
0x52: {  	_ =	shalt  }
0x53: {  	_ =	shalt  }
0x54: {  	_ =	shalt  }
0x55: {  	_ =	shalt  }
0x56: {  	_ =	shalt  }
0x57: {  	_ =	shalt  }
0x58: {  	_ =	shalt  }
0x59: {  	_ =	shalt  }
0x5a: {  	_ =	shalt  }
0x5b: {  	_ =	shalt  }
0x5c: {  	_ =	shalt  }
0x5d: {  	_ =	shalt  }
0x5e: {  	_ =	shalt  }
0x5f: {  	_ =	shalt  }
0x60: {  	_ =	shalt  }
0x61: {  	_ =	shalt  }
0x62: {  	_ =	shalt  }
0x63: {  	_ =	shalt  }
0x64: {  	_ =	shalt  }
0x65: {  	_ =	shalt  }
0x66: {  	_ =	shalt  }
0x67: {  	_ =	shalt  }
0x68: {  	_ =	shalt  }
0x69: {  	_ =	shalt  }
0x6a: {  	_ =	shalt  }
0x6b: {  	_ =	shalt  }
0x6c: {  	_ =	shalt  }
0x6d: {  	_ =	shalt  }
0x6e: {  	_ =	shalt  }
0x6f: {  	_ =	shalt  }
0x70: {  	_ =	shalt  }
0x71: {  	_ =	shalt  }
0x72: {  	_ =	shalt  }
0x73: {  	_ =	shalt  }
0x74: {  	_ =	shalt  }
0x75: {  	_ =	shalt  }
0x76: {  	_ =	shalt  }
0x77: {  	_ =	shalt  }
0x78: {  	_ =	shalt  }
0x79: {  	_ =	shalt  }
0x7a: {  	_ =	shalt  }
0x7b: {  	_ =	shalt  }
0x7c: {  	_ =	shalt  }
0x7d: {  	_ =	shalt  }
0x7e: {  	_ =	shalt  }
0x7f: {  	_ =	shalt  }
0x80: {  	_ =	shalt  }
0x81: {  	_ =	shalt  }
0x82: {  	_ =	shalt  }
0x83: {  	_ =	shalt  }
0x84: {  	_ =	shalt  }
0x85: {  	_ =	shalt  }
0x86: {  	_ =	shalt  }
0x87: {  	_ =	shalt  }
.Lfunc_end0:
.L_simem_size_0:
called_computation_lowered:
.L_overlay_start_0:
0x88: {  	s2 =	sld [smem:$0x3FD9]  }
0x89: {  	s3 =	sld [smem:$0x3FFE];
	_ =	sdelay $0x1  }
0x8a: {  	s1 =	srdreg.scid  }
0x8b: {  	s0 =	sand.u32 $0x1, s1  }
0x8c: {  	s14 =	sshll.u32 s0, $0xA;
	s2 =	sadd.s32 s3, s2  }
0x8d: {  	s2 =	sadd.s32 s2, s14  }
0x8e: {  	[smem:$0x3FBD] =	sst s2  }
0x8f: {  	_ = 	snop  }
0x90: {  	s2 =	sld [smem:$0x3FD0];
	_ =	sdelay $0x2  }
0x91: {  	s4 =	simm.s32 $0xA;
	s5 =	simm.s32 $0x10;
	s15 =	sld [smem:$0x3FC9]  }
0x92: {  	[smem:s5], [sflag:s4] =	dma.local [hbm:s2], $0x1  }
0x93: {  	_ =	swait.eq [sflag:s4], $0x1  }
0x94: {  	s16 =	sld [smem:$0x10];
	[sflag:s4] =	ssyncset.done $0x0  }
0x95: {  	s17 =	sld [smem:$0x12];
	[sflag:s4] =	ssyncadd.s32 $0xFFFFFFFF  }
0x96: {  	s18 =	sld [smem:$0x16];
	(tm) =	ssettm $0x1  }
0x97: {  	s6 =	sld [smem:$0x3FFB];
	_ =	sdelay $0x3  }
0x98: {  	_ =	strace s6  }
0x99: {  	s6 =	sld [smem:$0x3FFC];
	_ =	sdelay $0x3  }
0x9a: {  	_ =	strace s6  }
0x9b: {  	s6 =	sld [smem:$0x3FFD];
	_ =	sdelay $0x3  }
0x9c: {  	_ =	strace s6  }
0x9d: {  	_ =	strace $0x8FFFFFFF  }
0x9e: {  	s19 =	sld [smem:$0x3FDB];
	_ =	sdelay $0x1  }
0x9f: {  	s7 =	simm.s32 $_scs_section_size  }
0xa0: {  	s8 =	simm.s32 $_size__tile_overlayer_lowered;
	s9 =	simm.s32 $_tile_overlayer_lowered  }
0xa1: {  	s22 =	simm.s32 $0x1BFF;
	s21 =	sshll.u32 s9, $0x1;
	s6 =	sadd.s32 s7, s19  }
0xa2: {  	s10 =	simm.s32 $0x0;
	s20 =	sshll.u32 s8, $0x1;
	s8 =	sadd.s32 s21, s6  }
0xa3: {  	[timem:s10], [sflag:s22] =	dma.local [hbm:s8], s20  }
0xa4: {  	_ =	swait.ge [sflag:s22], s20  }
0xa5: {  	s7 =	ssub.s32 $0x0, s20;
	[sflag:s22] =	ssyncset.done $0x0  }
0xa6: {  	[sflag:s22] =	ssyncadd.s32 s7;
	_ =	sdelay $0x1  }
0xa7: {  	s23 =	simm.s32 $0x1B8B  }
0xa8: {  	_ =	swait.ge [sflag:s23], $0x1  }
0xa9: {  	[sflag:s23] =	ssyncset.done $0x0  }
0xaa: {  	s25 =	simm.s32 $0x1B8E;
	s24 =	sld [smem:$0x3FFE];
	[sflag:s23] =	ssyncadd.s32 $0xFFFFFFFF  }
0xab: {  	s26 =	simm.s32 $execute0_lowered;
	[smem:$0x3FD2] =	sst s25  }
0xac: {  	s8 =	sshll.u32 s26, $0x1;
	_ =	strace $0x80000046;
	[dreg:$0x1] =	wrdreg $0xFFFFFFFF  }
0xad: {  	s28 =	simm.s32 $_size_execute0_lowered;
	s6 =	sadd.s32 s6, s8;
	[dreg:$0x0] =	wrdreg $0x0  }
0xae: {  	s8 =	sshll.u32 s28, $0x1;
	[dreg:$0x2] =	wrdreg s6  }
0xaf: {  	[dreg:$0x3] =	wrdreg s8  }
0xb0: {  	[dreg:$0x4] =	wrdreg $0xC0  }
0xb1: {  	_ =	task [dreg:s10], $0x5FFFF  }
0xb2: {  	[dreg:$0x1] =	wrdreg $0xFFFFFFFF  }
0xb3: {  	[dreg:$0x0] =	wrdreg $0x60  }
0xb4: {  	[dreg:$0x2] =	wrdreg s17  }
0xb5: {  	[dreg:$0x3] =	wrdreg s18  }
0xb6: {  	[dreg:$0x4] =	wrdreg s15  }
0xb7: {  	[dreg:$0x5] =	wrdreg s16  }
0xb8: {  	[dreg:$0x6] =	wrdreg s24  }
0xb9: {  	[dreg:$0x7] =	wrdreg $0x9  }
0xba: {  	_ =	task.clear_ibuf [dreg:s10], $0x8FFFF;
	_ =	strace $0x90000046  }
0xbb: {  	s29 =	simm.s32 $0x9;
	_ =	strace $0x80000048  }
0xbc: {  	_ =	swait.ge [sflag:s29], $0x1  }
0xbd: {  	[sflag:s29] =	ssyncadd.s32 $0xFFFFFFFF  }
0xbe: {  	_ =	strace $0x90000048  }
0xbf: {  	_ =	sfence  }
0xc0: {  	s30 =	sld [smem:$0x0];
	_ =	sdelay $0x2  }
0xc1: {  	s31 =	sshll.u32 s1, $0xD;
	s1 =	sshrl.u32 s1, $0x2  }
0xc2: {  	s3 =	sand.u32 $0x4000, s31;
	s1 =	sadd.s32 s1, s30  }
0xc3: {  	s0 =	sor.u32 s3, s0;
	s1 =	sshll.u32 s1, $0x11  }
0xc4: {  	s0 =	sor.u32 s1, s0  }
0xc5: {  	s0 =	sadd.s32 $0x8F2B, s0  }
0xc6: {  	[sflag:s0] =	ssyncadd.remote.s32 $0x1  }
0xc7: {  	_ =	sfence.sel $0xFFFF  }
0xc8: {  	[dreg:$0x0] =	wrdreg $0xFFFFFFFF;
	(pc) =	sbr.abs _section_cstart, $3  }
0xc9: {  	[dreg:$0x1] =	wrdreg $0xFFFFFFFF  }
0xca: {  	_ =	task.clear_ibuf [dreg:s10], $0x2FFFF;
	_ =	strace $0x9FFFFFFF  }
0xcb: {  	(tm) =	ssettm $0x7FFFFFFF  }
tec
execute0_lowered:
.L_overlay_start_1:
0x0: {  	(tag) =	ssettag $0x1  }
0x1: {  	s1 =	rddreg [dreg:$0x0]  }
0x2: {  	s3 =	rddreg [dreg:$0x2]  }
0x3: {  	s0 =	srdreg.scid;
	s2 =	rddreg [dreg:$0x3]  }
0x4: {  	s12 =	stileid.u32;
	s6 =	rddreg [dreg:$0x4];
	s5 =	simm.s32 $0x0  }
0x5: {  	s13 =	simm.s32 $0x880;
	s14 =	simm.s32 $0xA00;
	s30 =	simm.s32 $0x11A00  }
0x6: {  	s31 =	simm.s32 $0x12200;
	s15 =	simm.s32 $0x14200;
	s16 =	simm.s32 $0x14A00  }
0x7: {  	s18 =	simm.s32 $0x15A00;
	s19 =	simm.s32 $0x16200;
	s20 =	simm.s32 $0x16A00  }
0x8: {  	s21 =	simm.s32 $0x17200;
	s22 =	simm.s32 $0x17A00;
	s23 =	simm.s32 $0x18200  }
0x9: {  	s24 =	simm.s32 $0x1;
	s25 =	simm.s32 $0x0;
	s0 =	sand.u32 $0x1, s0  }
0xa: {  	s4 =	sshll.u32 s12, $0x1;
	[smem:$0x7FF] =	sst s5;
	s8 =	sadd.s32 $0x100, s3  }
0xb: {  	s9 =	sadd.s32 $0x200, s3;
	p0 =	slt.u32 s12, $0x8;
	s4 =	sor.u32 s0, s4  }
0xc: {  	s12 =	simm.s32 $0x2;
	s0 =	ssub.s32 $0x2, s0;
	s7 =	smul.u32 $0x3000, s4  }
.Ltmp0:
0xd: {  	_ =	strace $0x80000047;
	s29 =	sshrl.u32 s0, $0x1;
	(pc) =	sbr.rel .LBB2_1-.Ltmp0, $4  }
0xe: {  	s17 =	sshll.u32 s4, $0x7;
	s4 =	sshll.u32 s4, $0x4;
	s0 =	ssub.s32 s0, s29  }
0xf: {  	v1 =	vimm.s32 $0x800;
	v2 =	vlaneseq.u32;
	vm0 =	vmmov $0xffff;
	s10 =	sadd.s32 s7, s6;
	s6 =	sadd.s32 $0xFFFFF800, s17;
	s7 =	sadd.s32 s2, s4  }
0x10: {  	v3 =	vor.u32 $0x80, v2;
	v4 =	vand.u32 $0x7, v2;
	v5 =	vshrl.u32 v2, $0x3;
	s11 =	smax.u32 s0, $0x1;
	s4 =	simm.s32 $0x12A00;
	s0 =	simm.s32 $0x13200  }
0x11: {  	v6 =	vor.u32 $0x8, v2;
	v5 =	vmul.u32 $0x8, v5;
	v0 =	vmov s17;
	s2 =	simm.s32 $0x13A00;
	s17 =	simm.s32 $0x15200;
	s10 =	sadd.s32 $0x2800, s10  }
.LBB2_5:
0x12: {  	s25 =	sadd.s32 $0x1, s25  }
0x13: {  	p1 =	sne.s32 s25, s11  }
.Ltmp1:
0x14: {  	_ = 	snop;
	(pc) =	sbr.rel @!p1 .LBB2_6-.Ltmp1, $1  }
0x15: {  	_ =	sdelay $0x3  }
.LBB2_1:
0x16: {  	[tilespmem:s5], [sflag:$0x2] =	stream.linear.gather [hbm4b:s1+s5], $0x80, $0x38;
	[tilespmem:$0x18A00] =	vst v63  }
0x17: {  	_ =	swait.ge [sflag:s12], $0x80  }
0x18: {  	[sflag:s12] =	ssyncset.done $0x0  }
0x19: {  	[sflag:s12] =	ssyncadd.s32 $0xFFFFFF80  }
0x1a: {  	v7 =	vld [tilespmem:$0x0];
	_ =	sdelay $0x4  }
0x1b: {  	v7 =	vxor.u32 $0x80000000, v7  }
0x1c: {  	(xrf0) =	vmax.scan.msk.u32 $0xffff, v7;
	_ =	sdelay $0x5  }
0x1d: {  	v7, _, _ =	vpop (xrf0)  }
0x1e: {  	(v2sf) =	vpush v7, $0xF;
	_ =	sdelay $0xe  }
0x1f: {  	s26 =	spop (v2sf)  }
0x20: {  	s26 =	sxor.u32 $0x80000000, s26  }
0x21: {  	p1 =	sge.s32 @!p0 s6, s26  }
0x22: {  	p1 =	por p0, !p1  }
.Ltmp2:
0x23: {  	_ = 	snop;
	(pc) =	sbr.rel @!p1 .LBB2_5-.Ltmp2, $1  }
0x24: {  	_ =	sdelay $0x3  }
0x25: {  	s26 =	simm.s32 $0x0;
	s28 =	simm.s32 $0x80;
	s29 =	rddreg [dreg:$0x1]  }
0x26: {  	[tilespmem:s28], [sflag:$0x2] =	stream.linear.gather [hbm4b:s29+s26], $0x800, $0x38;
	[tilespmem:$0x18A00] =	vst v63  }
0x27: {  	_ =	swait.ge [sflag:s12], $0x800  }
0x28: {  	[sflag:s12] =	ssyncset.done $0x0  }
0x29: {  	[sflag:s12] =	ssyncadd.s32 $0xFFFFF800  }
0x2a: {  	[tilespmem:$0x880] =	vst v1  }
0x2b: {  	[tilespmem:$0x890] =	vst v1  }
0x2c: {  	[tilespmem:$0x8A0] =	vst v1  }
0x2d: {  	[tilespmem:$0x8B0] =	vst v1  }
0x2e: {  	[tilespmem:$0x8C0] =	vst v1  }
0x2f: {  	[tilespmem:$0x8D0] =	vst v1  }
0x30: {  	[tilespmem:$0x8E0] =	vst v1  }
0x31: {  	[tilespmem:$0x8F0] =	vst v1  }
0x32: {  	[tilespmem:$0x900] =	vst v1  }
0x33: {  	s29 =	simm.s32 $0x10;
	v7 =	vld [tilespmem:s28+$0x0]  }
.LBB2_3:
0x34: {  	p1 =	sne.s32 s29, $0x7F0;
	_ =	sdelay $0x3  }
0x35: {  	v7 =	vsub.s32 v7, v0  }
0x36: {  	vm1 =	vlt.u32 v7, $0x80  }
0x37: {  	v7 =	vsel vm1, v7, v3;
	_ =	sdelay $0x1  }
.Ltmp3:
0x38: {  	(pc) =	sbr.rel @p1 .LBB2_3-.Ltmp3, $4  }
0x39: {  	v8 =	vor.u32 s26, v2;
	s26 =	smov.u32 s29  }
0x3a: {  	v8 =	vnsel vm1, $0x800, v8  }
0x3b: {  	s28 =	sadd.s32 $0x10, s28;
	[tilespmem:v7+s13+$0x0] =	vst.idx.msk $0xffff, v8  }
0x3c: {  	s29 =	sadd.s32 $0x10, s29;
	v7 =	vld [tilespmem:s28+$0x0]  }
0x3d: {  	_ =	sdelay $0x3  }
0x3e: {  	v7 =	vsub.s32 v7, v0  }
0x3f: {  	vm1 =	vlt.u32 v7, $0x80  }
0x40: {  	v7 =	vsel vm1, v7, v3;
	_ =	sdelay $0x2  }
0x41: {  	v8 =	vor.u32 s26, v2  }
0x42: {  	v8 =	vnsel vm1, $0x800, v8  }
0x43: {  	[tilespmem:v7+s13+$0x0] =	vst.idx.msk $0xffff, v8  }
0x44: {  	[hbm4b:s7+s5] =	stream.linear.scatter [tilespmem:s13], [sflag:$0x2], $0x80, $0x38;
	[tilespmem:$0x18A00] =	vst v63  }
0x45: {  	_ =	swait.ge [sflag:s12], $0x80  }
0x46: {  	[sflag:s12] =	ssyncset.done $0x0  }
0x47: {  	[sflag:s12] =	ssyncadd.s32 $0xFFFFFF80  }
0x48: {  	v7 =	vld [tilespmem:$0x880];
	_ =	sdelay $0x3  }
0x49: {  	v8 =	vld [tilespmem:$0x890]  }
0x4a: {  	v9 =	vld [tilespmem:$0x8A0];
	vm1 =	vgt.s32 v7, $0x7FF  }
0x4b: {  	v10 =	vld [tilespmem:$0x8B0];
	v7 =	vsel vm1, $0x0, v7  }
0x4c: {  	v11 =	vld [tilespmem:$0x8C0];
	v12 =	vshrl.u32 v7, $0x3  }
0x4d: {  	v13 =	vld [tilespmem:$0x8D0];
	v12 =	vmul.u32 $0x30, v12  }
0x4e: {  	v14 =	vld [tilespmem:$0x8E0];
	vm1 =	vgt.s32 v8, $0x7FF;
	v15 =	vand.u32 $0x7, v7  }
0x4f: {  	v62 =	vld [tilespmem:$0x8F0];
	[tilespmem:$0x980] =	vst v7;
	v7 =	vsel vm1, $0x0, v8;
	vm1 =	vgt.s32 v9, $0x7FF;
	v8 =	vor.u32 v15, v12  }
0x50: {  	[tilespmem:$0x990] =	vst v7;
	v7 =	vsel vm1, $0x0, v9;
	vm1 =	vgt.s32 v10, $0x7FF;
	v63 =	vperm.xlane v8, v4  }
0x51: {  	[tilespmem:$0x9A0] =	vst v7;
	v7 =	vsel vm1, $0x0, v10;
	vm1 =	vgt.s32 v11, $0x7FF  }
0x52: {  	[tilespmem:$0x9B0] =	vst v7;
	v7 =	vsel vm1, $0x0, v11;
	vm1 =	vgt.s32 v13, $0x7FF;
	v9 =	vadd.s32 v5, v63  }
0x53: {  	[tilespmem:$0x9C0] =	vst v7;
	v7 =	vsel vm1, $0x0, v13;
	vm1 =	vgt.s32 v14, $0x7FF  }
0x54: {  	[tilespmem:$0x9D0] =	vst v7;
	v7 =	vsel vm1, $0x0, v14;
	vm1 =	vgt.s32 v62, $0x7FF  }
0x55: {  	[tilespmem:$0x9E0] =	vst v7;
	v7 =	vsel vm1, $0x0, v62  }
0x56: {  	[tilespmem:$0x9F0] =	vst v7;
	v7 =	vperm.xlane v8, v6  }
0x57: {  	[tilespmem:s14], [sflag:$0x1] =	stream.indirect_vreg.gather [hbm4b:s3+s5], $0x80, v9, vm0, $0xb8;
	[tilespmem:$0x18A00] =	vst v63  }
0x58: {  	s29 =	simm.s32 $0x1200;
	v7 =	vadd.s32 v5, v7  }
0x59: {  	[tilespmem:s29], [sflag:$0x1] =	stream.indirect_vreg.gather [hbm4b:s8+s5], $0x80, v9, vm0, $0xb8;
	[tilespmem:$0x18A00] =	vst v63  }
0x5a: {  	s28 =	simm.s32 $0x1A00  }
0x5b: {  	[tilespmem:s28], [sflag:$0x1] =	stream.indirect_vreg.gather [hbm4b:s9+s5], $0x80, v9, vm0, $0xb8;
	[tilespmem:$0x18A00] =	vst v63  }
0x5c: {  	s29 =	simm.s32 $0x2200  }
0x5d: {  	[tilespmem:s29], [sflag:$0x1] =	stream.indirect_vreg.gather [hbm4b:s3+s5], $0x80, v7, vm0, $0xb8;
	[tilespmem:$0x18A00] =	vst v63  }
0x5e: {  	s28 =	simm.s32 $0x2A00  }
0x5f: {  	[tilespmem:s28], [sflag:$0x1] =	stream.indirect_vreg.gather [hbm4b:s8+s5], $0x80, v7, vm0, $0xb8;
	[tilespmem:$0x18A00] =	vst v63  }
0x60: {  	s29 =	simm.s32 $0x3200  }
0x61: {  	[tilespmem:s29], [sflag:$0x1] =	stream.indirect_vreg.gather [hbm4b:s9+s5], $0x80, v7, vm0, $0xb8;
	[tilespmem:$0x18A00] =	vst v63  }
0x62: {  	v7 =	vld [tilespmem:$0x990];
	_ =	sdelay $0x4  }
0x63: {  	v8 =	vshrl.u32 v7, $0x3  }
0x64: {  	v8 =	vmul.u32 $0x30, v8  }
0x65: {  	v7 =	vand.u32 $0x7, v7  }
0x66: {  	v7 =	vor.u32 v7, v8  }
0x67: {  	v8 =	vperm.xlane v7, v4;
	_ =	sdelay $0x1  }
0x68: {  	v8 =	vadd.s32 v5, v8;
	_ =	sdelay $0x3  }
0x69: {  	s28 =	simm.s32 $0x3A00;
	v7 =	vperm.xlane v7, v6  }
0x6a: {  	[tilespmem:s28], [sflag:$0x1] =	stream.indirect_vreg.gather [hbm4b:s3+s5], $0x80, v8, vm0, $0xb8;
	[tilespmem:$0x18A00] =	vst v63  }
0x6b: {  	s29 =	simm.s32 $0x4200;
	v7 =	vadd.s32 v5, v7  }
0x6c: {  	[tilespmem:s29], [sflag:$0x1] =	stream.indirect_vreg.gather [hbm4b:s8+s5], $0x80, v8, vm0, $0xb8;
	[tilespmem:$0x18A00] =	vst v63  }
0x6d: {  	s28 =	simm.s32 $0x4A00  }
0x6e: {  	[tilespmem:s28], [sflag:$0x1] =	stream.indirect_vreg.gather [hbm4b:s9+s5], $0x80, v8, vm0, $0xb8;
	[tilespmem:$0x18A00] =	vst v63  }
0x6f: {  	s29 =	simm.s32 $0x5200  }
0x70: {  	[tilespmem:s29], [sflag:$0x1] =	stream.indirect_vreg.gather [hbm4b:s3+s5], $0x80, v7, vm0, $0xb8;
	[tilespmem:$0x18A00] =	vst v63  }
0x71: {  	s28 =	simm.s32 $0x5A00  }
0x72: {  	[tilespmem:s28], [sflag:$0x1] =	stream.indirect_vreg.gather [hbm4b:s8+s5], $0x80, v7, vm0, $0xb8;
	[tilespmem:$0x18A00] =	vst v63  }
0x73: {  	s29 =	simm.s32 $0x6200  }
0x74: {  	[tilespmem:s29], [sflag:$0x1] =	stream.indirect_vreg.gather [hbm4b:s9+s5], $0x80, v7, vm0, $0xb8;
	[tilespmem:$0x18A00] =	vst v63  }
0x75: {  	v7 =	vld [tilespmem:$0x9A0];
	_ =	sdelay $0x4  }
0x76: {  	v8 =	vshrl.u32 v7, $0x3  }
0x77: {  	v8 =	vmul.u32 $0x30, v8  }
0x78: {  	v7 =	vand.u32 $0x7, v7  }
0x79: {  	v7 =	vor.u32 v7, v8  }
0x7a: {  	v8 =	vperm.xlane v7, v4;
	_ =	sdelay $0x1  }
0x7b: {  	v8 =	vadd.s32 v5, v8;
	_ =	sdelay $0x3  }
0x7c: {  	s28 =	simm.s32 $0x6A00;
	v7 =	vperm.xlane v7, v6  }
0x7d: {  	[tilespmem:s28], [sflag:$0x1] =	stream.indirect_vreg.gather [hbm4b:s3+s5], $0x80, v8, vm0, $0xb8;
	[tilespmem:$0x18A00] =	vst v63  }
0x7e: {  	s29 =	simm.s32 $0x7200;
	v7 =	vadd.s32 v5, v7  }
0x7f: {  	[tilespmem:s29], [sflag:$0x1] =	stream.indirect_vreg.gather [hbm4b:s8+s5], $0x80, v8, vm0, $0xb8;
	[tilespmem:$0x18A00] =	vst v63  }
0x80: {  	s28 =	simm.s32 $0x7A00  }
0x81: {  	[tilespmem:s28], [sflag:$0x1] =	stream.indirect_vreg.gather [hbm4b:s9+s5], $0x80, v8, vm0, $0xb8;
	[tilespmem:$0x18A00] =	vst v63  }
0x82: {  	s29 =	simm.s32 $0x8200  }
0x83: {  	[tilespmem:s29], [sflag:$0x1] =	stream.indirect_vreg.gather [hbm4b:s3+s5], $0x80, v7, vm0, $0xb8;
	[tilespmem:$0x18A00] =	vst v63  }
0x84: {  	s28 =	simm.s32 $0x8A00  }
0x85: {  	[tilespmem:s28], [sflag:$0x1] =	stream.indirect_vreg.gather [hbm4b:s8+s5], $0x80, v7, vm0, $0xb8;
	[tilespmem:$0x18A00] =	vst v63  }
0x86: {  	s29 =	simm.s32 $0x9200  }
0x87: {  	[tilespmem:s29], [sflag:$0x1] =	stream.indirect_vreg.gather [hbm4b:s9+s5], $0x80, v7, vm0, $0xb8;
	[tilespmem:$0x18A00] =	vst v63  }
0x88: {  	v7 =	vld [tilespmem:$0x9B0];
	_ =	sdelay $0x4  }
0x89: {  	v8 =	vshrl.u32 v7, $0x3  }
0x8a: {  	v8 =	vmul.u32 $0x30, v8  }
0x8b: {  	v7 =	vand.u32 $0x7, v7  }
0x8c: {  	v7 =	vor.u32 v7, v8  }
0x8d: {  	v8 =	vperm.xlane v7, v4;
	_ =	sdelay $0x1  }
0x8e: {  	v8 =	vadd.s32 v5, v8;
	_ =	sdelay $0x3  }
0x8f: {  	s28 =	simm.s32 $0x9A00;
	v7 =	vperm.xlane v7, v6  }
0x90: {  	[tilespmem:s28], [sflag:$0x1] =	stream.indirect_vreg.gather [hbm4b:s3+s5], $0x80, v8, vm0, $0xb8;
	[tilespmem:$0x18A00] =	vst v63  }
0x91: {  	s29 =	simm.s32 $0xA200;
	v7 =	vadd.s32 v5, v7  }
0x92: {  	[tilespmem:s29], [sflag:$0x1] =	stream.indirect_vreg.gather [hbm4b:s8+s5], $0x80, v8, vm0, $0xb8;
	[tilespmem:$0x18A00] =	vst v63  }
0x93: {  	s28 =	simm.s32 $0xAA00  }
0x94: {  	[tilespmem:s28], [sflag:$0x1] =	stream.indirect_vreg.gather [hbm4b:s9+s5], $0x80, v8, vm0, $0xb8;
	[tilespmem:$0x18A00] =	vst v63  }
0x95: {  	s29 =	simm.s32 $0xB200  }
0x96: {  	[tilespmem:s29], [sflag:$0x1] =	stream.indirect_vreg.gather [hbm4b:s3+s5], $0x80, v7, vm0, $0xb8;
	[tilespmem:$0x18A00] =	vst v63  }
0x97: {  	s28 =	simm.s32 $0xBA00  }
0x98: {  	[tilespmem:s28], [sflag:$0x1] =	stream.indirect_vreg.gather [hbm4b:s8+s5], $0x80, v7, vm0, $0xb8;
	[tilespmem:$0x18A00] =	vst v63  }
0x99: {  	s29 =	simm.s32 $0xC200  }
0x9a: {  	[tilespmem:s29], [sflag:$0x1] =	stream.indirect_vreg.gather [hbm4b:s9+s5], $0x80, v7, vm0, $0xb8;
	[tilespmem:$0x18A00] =	vst v63  }
0x9b: {  	v7 =	vld [tilespmem:$0x9C0];
	_ =	sdelay $0x4  }
0x9c: {  	v8 =	vshrl.u32 v7, $0x3  }
0x9d: {  	v8 =	vmul.u32 $0x30, v8  }
0x9e: {  	v7 =	vand.u32 $0x7, v7  }
0x9f: {  	v7 =	vor.u32 v7, v8  }
0xa0: {  	v8 =	vperm.xlane v7, v4;
	_ =	sdelay $0x1  }
0xa1: {  	v8 =	vadd.s32 v5, v8;
	_ =	sdelay $0x3  }
0xa2: {  	s28 =	simm.s32 $0xCA00;
	v7 =	vperm.xlane v7, v6  }
0xa3: {  	[tilespmem:s28], [sflag:$0x1] =	stream.indirect_vreg.gather [hbm4b:s3+s5], $0x80, v8, vm0, $0xb8;
	[tilespmem:$0x18A00] =	vst v63  }
0xa4: {  	s29 =	simm.s32 $0xD200;
	v7 =	vadd.s32 v5, v7  }
0xa5: {  	[tilespmem:s29], [sflag:$0x1] =	stream.indirect_vreg.gather [hbm4b:s8+s5], $0x80, v8, vm0, $0xb8;
	[tilespmem:$0x18A00] =	vst v63  }
0xa6: {  	s28 =	simm.s32 $0xDA00  }
0xa7: {  	[tilespmem:s28], [sflag:$0x1] =	stream.indirect_vreg.gather [hbm4b:s9+s5], $0x80, v8, vm0, $0xb8;
	[tilespmem:$0x18A00] =	vst v63  }
0xa8: {  	s29 =	simm.s32 $0xE200  }
0xa9: {  	[tilespmem:s29], [sflag:$0x1] =	stream.indirect_vreg.gather [hbm4b:s3+s5], $0x80, v7, vm0, $0xb8;
	[tilespmem:$0x18A00] =	vst v63  }
0xaa: {  	s28 =	simm.s32 $0xEA00  }
0xab: {  	[tilespmem:s28], [sflag:$0x1] =	stream.indirect_vreg.gather [hbm4b:s8+s5], $0x80, v7, vm0, $0xb8;
	[tilespmem:$0x18A00] =	vst v63  }
0xac: {  	s29 =	simm.s32 $0xF200  }
0xad: {  	[tilespmem:s29], [sflag:$0x1] =	stream.indirect_vreg.gather [hbm4b:s9+s5], $0x80, v7, vm0, $0xb8;
	[tilespmem:$0x18A00] =	vst v63  }
0xae: {  	v7 =	vld [tilespmem:$0x9D0];
	_ =	sdelay $0x4  }
0xaf: {  	v8 =	vshrl.u32 v7, $0x3  }
0xb0: {  	v8 =	vmul.u32 $0x30, v8  }
0xb1: {  	v7 =	vand.u32 $0x7, v7  }
0xb2: {  	v7 =	vor.u32 v7, v8  }
0xb3: {  	v8 =	vperm.xlane v7, v4;
	_ =	sdelay $0x1  }
0xb4: {  	v8 =	vadd.s32 v5, v8;
	_ =	sdelay $0x3  }
0xb5: {  	s28 =	simm.s32 $0xFA00;
	v7 =	vperm.xlane v7, v6  }
0xb6: {  	[tilespmem:s28], [sflag:$0x1] =	stream.indirect_vreg.gather [hbm4b:s3+s5], $0x80, v8, vm0, $0xb8;
	[tilespmem:$0x18A00] =	vst v63  }
0xb7: {  	s29 =	simm.s32 $0x10200;
	v7 =	vadd.s32 v5, v7  }
0xb8: {  	[tilespmem:s29], [sflag:$0x1] =	stream.indirect_vreg.gather [hbm4b:s8+s5], $0x80, v8, vm0, $0xb8;
	[tilespmem:$0x18A00] =	vst v63  }
0xb9: {  	s28 =	simm.s32 $0x10A00  }
0xba: {  	[tilespmem:s28], [sflag:$0x1] =	stream.indirect_vreg.gather [hbm4b:s9+s5], $0x80, v8, vm0, $0xb8;
	[tilespmem:$0x18A00] =	vst v63  }
0xbb: {  	s29 =	simm.s32 $0x11200  }
0xbc: {  	[tilespmem:s29], [sflag:$0x1] =	stream.indirect_vreg.gather [hbm4b:s3+s5], $0x80, v7, vm0, $0xb8;
	[tilespmem:$0x18A00] =	vst v63  }
0xbd: {  	_ = 	snop  }
0xbe: {  	[tilespmem:s30], [sflag:$0x1] =	stream.indirect_vreg.gather [hbm4b:s8+s5], $0x80, v7, vm0, $0xb8;
	[tilespmem:$0x18A00] =	vst v63  }
0xbf: {  	_ = 	snop  }
0xc0: {  	[tilespmem:s31], [sflag:$0x1] =	stream.indirect_vreg.gather [hbm4b:s9+s5], $0x80, v7, vm0, $0xb8;
	[tilespmem:$0x18A00] =	vst v63  }
0xc1: {  	v7 =	vld [tilespmem:$0x9E0];
	_ =	sdelay $0x4  }
0xc2: {  	v8 =	vshrl.u32 v7, $0x3  }
0xc3: {  	v8 =	vmul.u32 $0x30, v8  }
0xc4: {  	v7 =	vand.u32 $0x7, v7  }
0xc5: {  	v7 =	vor.u32 v7, v8  }
0xc6: {  	v8 =	vperm.xlane v7, v4;
	_ =	sdelay $0x1  }
0xc7: {  	v8 =	vadd.s32 v5, v8;
	_ =	sdelay $0x3  }
0xc8: {  	v7 =	vperm.xlane v7, v6  }
0xc9: {  	[tilespmem:s4], [sflag:$0x1] =	stream.indirect_vreg.gather [hbm4b:s3+s5], $0x80, v8, vm0, $0xb8;
	[tilespmem:$0x18A00] =	vst v63  }
0xca: {  	v7 =	vadd.s32 v5, v7  }
0xcb: {  	[tilespmem:s0], [sflag:$0x1] =	stream.indirect_vreg.gather [hbm4b:s8+s5], $0x80, v8, vm0, $0xb8;
	[tilespmem:$0x18A00] =	vst v63  }
0xcc: {  	_ = 	snop  }
0xcd: {  	[tilespmem:s2], [sflag:$0x1] =	stream.indirect_vreg.gather [hbm4b:s9+s5], $0x80, v8, vm0, $0xb8;
	[tilespmem:$0x18A00] =	vst v63  }
0xce: {  	_ = 	snop  }
0xcf: {  	[tilespmem:s15], [sflag:$0x1] =	stream.indirect_vreg.gather [hbm4b:s3+s5], $0x80, v7, vm0, $0xb8;
	[tilespmem:$0x18A00] =	vst v63  }
0xd0: {  	_ = 	snop  }
0xd1: {  	[tilespmem:s16], [sflag:$0x1] =	stream.indirect_vreg.gather [hbm4b:s8+s5], $0x80, v7, vm0, $0xb8;
	[tilespmem:$0x18A00] =	vst v63  }
0xd2: {  	_ = 	snop  }
0xd3: {  	[tilespmem:s17], [sflag:$0x1] =	stream.indirect_vreg.gather [hbm4b:s9+s5], $0x80, v7, vm0, $0xb8;
	[tilespmem:$0x18A00] =	vst v63  }
0xd4: {  	v7 =	vld [tilespmem:$0x9F0];
	_ =	sdelay $0x4  }
0xd5: {  	v8 =	vshrl.u32 v7, $0x3  }
0xd6: {  	v8 =	vmul.u32 $0x30, v8  }
0xd7: {  	v7 =	vand.u32 $0x7, v7  }
0xd8: {  	v7 =	vor.u32 v7, v8  }
0xd9: {  	v8 =	vperm.xlane v7, v4;
	_ =	sdelay $0x1  }
0xda: {  	v8 =	vadd.s32 v5, v8;
	_ =	sdelay $0x3  }
0xdb: {  	v7 =	vperm.xlane v7, v6  }
0xdc: {  	[tilespmem:s18], [sflag:$0x1] =	stream.indirect_vreg.gather [hbm4b:s3+s5], $0x80, v8, vm0, $0xb8;
	[tilespmem:$0x18A00] =	vst v63  }
0xdd: {  	v7 =	vadd.s32 v5, v7  }
0xde: {  	[tilespmem:s19], [sflag:$0x1] =	stream.indirect_vreg.gather [hbm4b:s8+s5], $0x80, v8, vm0, $0xb8;
	[tilespmem:$0x18A00] =	vst v63  }
0xdf: {  	_ = 	snop  }
0xe0: {  	[tilespmem:s20], [sflag:$0x1] =	stream.indirect_vreg.gather [hbm4b:s9+s5], $0x80, v8, vm0, $0xb8;
	[tilespmem:$0x18A00] =	vst v63  }
0xe1: {  	_ = 	snop  }
0xe2: {  	[tilespmem:s21], [sflag:$0x1] =	stream.indirect_vreg.gather [hbm4b:s3+s5], $0x80, v7, vm0, $0xb8;
	[tilespmem:$0x18A00] =	vst v63  }
0xe3: {  	_ = 	snop  }
0xe4: {  	[tilespmem:s22], [sflag:$0x1] =	stream.indirect_vreg.gather [hbm4b:s8+s5], $0x80, v7, vm0, $0xb8;
	[tilespmem:$0x18A00] =	vst v63  }
0xe5: {  	_ = 	snop  }
0xe6: {  	[tilespmem:s23], [sflag:$0x1] =	stream.indirect_vreg.gather [hbm4b:s9+s5], $0x80, v7, vm0, $0xb8;
	[tilespmem:$0x18A00] =	vst v63  }
0xe7: {  	_ =	swait.ge [sflag:s24], $0x18000  }
0xe8: {  	[sflag:s24] =	ssyncset.done $0x0  }
.Ltmp4:
0xe9: {  	[sflag:s24] =	ssyncadd.s32 $0xFFFE8000;
	(pc) =	sbr.rel .LBB2_5-.Ltmp4, $4  }
0xea: {  	[hbm4b:s10+s5] =	stream.linear.scatter [tilespmem:s14], [sflag:$0x2], $0x18000, $0x38;
	[tilespmem:$0x18A00] =	vst v63  }
0xeb: {  	_ =	swait.ge [sflag:s12], $0x18000  }
0xec: {  	[sflag:s12] =	ssyncset.done $0x0  }
0xed: {  	[sflag:s12] =	ssyncadd.s32 $0xFFFE8000  }
.LBB2_6:
0xee: {  	_ =	sfence.sel $0x180000  }
0xef: {  	[bflag:$0x0] =	sbarrier.arrive $0xFFFF  }
0xf0: {  	_ =	strace $0x90000047  }
0xf1: {  	s0 =	stileid.u32;
	[bflag:$0x2] =	sbarrier.arrive $0xFFFF  }
0xf2: {  	p0 =	sne.s32 s0, $0x0;
	s0 =	rddreg [dreg:$0x5]  }
0xf3: {  	s0 =	sadd.s32 @!p0 $0x100000, s0  }
0xf4: {  	[sflag:s0] =	ssyncadd.tile.s32 @!p0 $0x1;
	_ =	shalt  }
.Lfunc_end2:
_tile_overlayer_lowered:
.L_overlay_start_2:
0xf5: {  	(tag) =	ssettag $0x2  }
0xf6: {  	s0 =	rddreg [dreg:$0x0];
	s2 =	stileid.u32  }
0xf7: {  	s1 =	rddreg [dreg:$0x1];
	p0 =	sne.s32 s2, $0x0  }
0xf8: {  	s3 =	rddreg [dreg:$0x2];
	[bflag:$0x3] =	sbarrier.arrive $0xFFFF;
	s2 =	simm.s32 @!p0 $0x1C02  }
0xf9: {  	[timem:s3], [sflag:s2] =	dma.local @!p0 [hbm:s0], s1  }
0xfa: {  	s0 =	simm.s32 @!p0 $0x2  }
0xfb: {  	_ =	swait.ge @!p0 [sflag:s0], s1  }
0xfc: {  	s1 =	ssub.s32 @!p0 $0x0, s1;
	[sflag:s0] =	ssyncset.done @!p0 $0x0  }
0xfd: {  	[sflag:s0] =	ssyncadd.s32 @!p0 s1  }
0xfe: {  	[bflag:$0x3] =	sbarrier.arrive $0xFFFF  }
0xff: {  	_ =	shalt  }

// kernel: kernel.9.cloned.1.call-start
scs
__scs_entry_jumppad:
0x0: {  	(pc) =	sbr.rel $0x88, $3  }
0x1: {  	(tag) =	ssettag $0x0;
	lr =	simm.s32 $0x1  }
0x2: {  	[smem:$0x3F96] =	sst lr;
	_ =	strace $0xD0000000  }
0x3: {  	_ = 	snop  }
0x4: {  	_ = 	snop  }
0x5: {  	_ = 	snop  }
0x6: {  	_ = 	snop  }
0x7: {  	_ = 	snop  }
__scs_overlays_trampoline_lowered:
0x8: {  	[smem:$0x3FA5] =	sst s0  }
0x9: {  	[smem:$0x3FA6] =	sst s1  }
0xa: {  	[smem:$0x3FA7] =	sst s2  }
0xb: {  	[smem:$0x3FA8] =	sst s3  }
0xc: {  	[smem:$0x3FA9] =	sst s4  }
0xd: {  	[smem:$0x3FAA] =	sst s5  }
0xe: {  	[smem:$0x3FAB] =	sst s6  }
0xf: {  	[smem:$0x3FAC] =	sst s7  }
0x10: {  	[smem:$0x3FAD] =	sst s8  }
0x11: {  	[smem:$0x3FAE] =	sst s9;
	s0 =	simm.s32 @!p0 $0x0  }
0x12: {  	s1 =	sld [smem:$0x3F94];
	s0 =	simm.s32 @p0 $0x1  }
0x13: {  	[smem:$0x3FAF] =	sst s0;
	s0 =	simm.s32 @!p1 $0x0  }
0x14: {  	s2 =	sld [smem:$0x3F93];
	s0 =	simm.s32 @p1 $0x1  }
0x15: {  	[smem:$0x3FB0] =	sst s0;
	s0 =	simm.s32 @!p2 $0x0  }
0x16: {  	s3 =	sld [smem:$0x3FDB];
	s0 =	simm.s32 @p2 $0x1  }
0x17: {  	s4 =	simm.s32 $0x1BF5;
	[smem:$0x3FB2] =	sst s0  }
0x18: {  	s0 =	sld [smem:$0x3F95];
	_ =	swait.ge [sflag:s4], $0x0  }
0x19: {  	s7 =	sld [smem:$0x3F96]  }
0x1a: {  	s8 =	sadd.s32 $0xFFFFE003, lr  }
0x1b: {  	s9 =	sadd.s32 $0xFFFFFEF7, lr;
	s5 =	simm.s32 $0xFFFFFFFF;
	p2 =	slt.u32 s8, $0xFFFFF086  }
0x1c: {  	p1 =	slt.u32 s9, $0xF7A;
	s5 =	simm.s32 @!p2 $0x0  }
0x1d: {  	s5 =	simm.s32 @p1 $0x1;
	p0 =	seq.s32 s7, s2  }
0x1e: {  	s7 =	smul.u32 @!p0 $0xF7A, s2;
	p2 =	seq.s32 @!p0 s5, $0x0  }
0x1f: {  	s9 =	smul.u32 $0xF7A, s1;
	s8 =	simm.s32 @!p0 $0x1BF5;
	p2 =	por !p2, p0  }
0x20: {  	[sflag:s8] =	ssyncset.s32 @!p0 $0xFFFFF086;
	s6 =	sadd.s32 @!p0 s3, s7;
	s7 =	simm.s32 @!p0 $0x108  }
0x21: {  	s3 =	sadd.s32 s3, s9;
	s6 =	sadd.s32 @!p0 $0x88, s6;
	s7 =	simm.s32 @p2 $0x1082  }
0x22: {  	[simem:s7], [sflag:s8] =	dma.local @!p0 [hbm:s6], $0xF7A  }
0x23: {  	s9 =	sor.u32 $0xD0000000, s2;
	s6 =	simm.s32 $0x108;
	_ =	swait.ge @!p0 [sflag:s8], $0x0  }
0x24: {  	s3 =	sadd.s32 $0x88, s3;
	s6 =	simm.s32 @!p1 $0x1082;
	[sflag:s4] =	ssyncset.s32 $0xFFFFF086  }
0x25: {  	[simem:s6], [sflag:s4] =	dma.local [hbm:s3], $0xF7A  }
0x26: {  	[smem:$0x3F96] =	sst s1;
	(tag) =	ssettag s2;
	_ =	strace s9  }
0x27: {  	s1 =	sld [smem:$0x3FA6]  }
0x28: {  	s2 =	sld [smem:$0x3FA7]  }
0x29: {  	s4 =	sld [smem:$0x3FA9]  }
0x2a: {  	p0 =	seq.s32 s5, $0x0;
	s5 =	sld [smem:$0x3FAA]  }
0x2b: {  	s6 =	sld [smem:$0x3FAB]  }
0x2c: {  	s7 =	sld [smem:$0x3FAC]  }
0x2d: {  	s3 =	simm.s32 $0x108;
	s8 =	sld [smem:$0x3FAD]  }
0x2e: {  	s3 =	simm.s32 @!p0 $0x1082;
	s9 =	sld [smem:$0x3FAE]  }
0x2f: {  	lr =	sadd.s32 s0, s3;
	s0 =	sld [smem:$0x3FA5]  }
0x30: {  	s3 =	sld [smem:$0x3FA8]  }
0x31: {  	[smem:$0x3FB1] =	sst s10  }
0x32: {  	s10 =	sld [smem:$0x3FAF];
	_ =	sdelay $0x3  }
0x33: {  	p0 =	seq.s32 s10, $0x1;
	s10 =	sld [smem:$0x3FB1];
	_ =	sdelay $0x3  }
0x34: {  	[smem:$0x3FB1] =	sst s10  }
0x35: {  	s10 =	sld [smem:$0x3FB0];
	_ =	sdelay $0x3  }
0x36: {  	p1 =	seq.s32 s10, $0x1;
	s10 =	sld [smem:$0x3FB1];
	_ =	sdelay $0x3  }
0x37: {  	[smem:$0x3FB1] =	sst s10  }
0x38: {  	s10 =	sld [smem:$0x3FB2]  }
0x39: {  	_ = 	snop;
	(pc) =	sbr.ind lr, $3  }
0x3a: {  	_ = 	snop  }
0x3b: {  	_ = 	snop  }
0x3c: {  	p2 =	seq.s32 s10, $0x1;
	s10 =	sld [smem:$0x3FB1]  }
0x3d: {  	_ =	shalt  }
0x3e: {  	_ =	shalt  }
0x3f: {  	_ =	shalt  }
0x40: {  	_ =	shalt  }
0x41: {  	_ =	shalt  }
0x42: {  	_ =	shalt  }
0x43: {  	_ =	shalt  }
0x44: {  	_ =	shalt  }
0x45: {  	_ =	shalt  }
0x46: {  	_ =	shalt  }
0x47: {  	_ =	shalt  }
0x48: {  	_ =	shalt  }
0x49: {  	_ =	shalt  }
0x4a: {  	_ =	shalt  }
0x4b: {  	_ =	shalt  }
0x4c: {  	_ =	shalt  }
0x4d: {  	_ =	shalt  }
0x4e: {  	_ =	shalt  }
0x4f: {  	_ =	shalt  }
0x50: {  	_ =	shalt  }
0x51: {  	_ =	shalt  }
0x52: {  	_ =	shalt  }
0x53: {  	_ =	shalt  }
0x54: {  	_ =	shalt  }
0x55: {  	_ =	shalt  }
0x56: {  	_ =	shalt  }
0x57: {  	_ =	shalt  }
0x58: {  	_ =	shalt  }
0x59: {  	_ =	shalt  }
0x5a: {  	_ =	shalt  }
0x5b: {  	_ =	shalt  }
0x5c: {  	_ =	shalt  }
0x5d: {  	_ =	shalt  }
0x5e: {  	_ =	shalt  }
0x5f: {  	_ =	shalt  }
0x60: {  	_ =	shalt  }
0x61: {  	_ =	shalt  }
0x62: {  	_ =	shalt  }
0x63: {  	_ =	shalt  }
0x64: {  	_ =	shalt  }
0x65: {  	_ =	shalt  }
0x66: {  	_ =	shalt  }
0x67: {  	_ =	shalt  }
0x68: {  	_ =	shalt  }
0x69: {  	_ =	shalt  }
0x6a: {  	_ =	shalt  }
0x6b: {  	_ =	shalt  }
0x6c: {  	_ =	shalt  }
0x6d: {  	_ =	shalt  }
0x6e: {  	_ =	shalt  }
0x6f: {  	_ =	shalt  }
0x70: {  	_ =	shalt  }
0x71: {  	_ =	shalt  }
0x72: {  	_ =	shalt  }
0x73: {  	_ =	shalt  }
0x74: {  	_ =	shalt  }
0x75: {  	_ =	shalt  }
0x76: {  	_ =	shalt  }
0x77: {  	_ =	shalt  }
0x78: {  	_ =	shalt  }
0x79: {  	_ =	shalt  }
0x7a: {  	_ =	shalt  }
0x7b: {  	_ =	shalt  }
0x7c: {  	_ =	shalt  }
0x7d: {  	_ =	shalt  }
0x7e: {  	_ =	shalt  }
0x7f: {  	_ =	shalt  }
0x80: {  	_ =	shalt  }
0x81: {  	_ =	shalt  }
0x82: {  	_ =	shalt  }
0x83: {  	_ =	shalt  }
0x84: {  	_ =	shalt  }
0x85: {  	_ =	shalt  }
0x86: {  	_ =	shalt  }
0x87: {  	_ =	shalt  }
.Lfunc_end0:
.L_simem_size_0:
called_computation.1_lowered:
.L_overlay_start_0:
0x88: {  	s2 =	sld [smem:$0x3FD9]  }
0x89: {  	s3 =	sld [smem:$0x3FFE];
	_ =	sdelay $0x1  }
0x8a: {  	s1 =	srdreg.scid  }
0x8b: {  	s0 =	sand.u32 $0x1, s1  }
0x8c: {  	s14 =	sshll.u32 s0, $0xA;
	s2 =	sadd.s32 s3, s2  }
0x8d: {  	s2 =	sadd.s32 s2, s14  }
0x8e: {  	[smem:$0x3FBD] =	sst s2  }
0x8f: {  	_ = 	snop  }
0x90: {  	s2 =	sld [smem:$0x3FD0];
	_ =	sdelay $0x2  }
0x91: {  	s15 =	simm.s32 $0xA;
	s4 =	simm.s32 $0x10  }
0x92: {  	[smem:s4], [sflag:s15] =	dma.local [hbm:s2], $0x1  }
0x93: {  	_ =	swait.eq [sflag:s15], $0x1  }
0x94: {  	[sflag:s15] =	ssyncset.done $0x0  }
0x95: {  	s16 =	sld [smem:$0x10];
	[sflag:s15] =	ssyncadd.s32 $0xFFFFFFFF  }
0x96: {  	s17 =	sld [smem:$0x12];
	(tm) =	ssettm $0x1  }
0x97: {  	s18 =	sld [smem:$0x3FFB];
	_ =	sdelay $0x3  }
0x98: {  	_ =	strace s18  }
0x99: {  	s4 =	sld [smem:$0x3FFC];
	_ =	sdelay $0x3  }
0x9a: {  	_ =	strace s4  }
0x9b: {  	s4 =	sld [smem:$0x3FFD];
	_ =	sdelay $0x3  }
0x9c: {  	_ =	strace s4  }
0x9d: {  	_ =	strace $0x8FFFFFFF  }
0x9e: {  	s19 =	sld [smem:$0x3FDB];
	_ =	sdelay $0x1  }
0x9f: {  	s5 =	simm.s32 $_scs_section_size  }
0xa0: {  	s6 =	simm.s32 $_size__tile_overlayer_lowered;
	s7 =	simm.s32 $_tile_overlayer_lowered  }
0xa1: {  	s22 =	simm.s32 $0x1BFF;
	s21 =	sshll.u32 s7, $0x1;
	s4 =	sadd.s32 s5, s19  }
0xa2: {  	s8 =	simm.s32 $0x0;
	s20 =	sshll.u32 s6, $0x1;
	s6 =	sadd.s32 s21, s4  }
0xa3: {  	[timem:s8], [sflag:s22] =	dma.local [hbm:s6], s20  }
0xa4: {  	_ =	swait.ge [sflag:s22], s20  }
0xa5: {  	s5 =	ssub.s32 $0x0, s20;
	[sflag:s22] =	ssyncset.done $0x0  }
0xa6: {  	[sflag:s22] =	ssyncadd.s32 s5;
	_ =	sdelay $0x1  }
0xa7: {  	s23 =	simm.s32 $0x1B8B  }
0xa8: {  	_ =	swait.ge [sflag:s23], $0x1  }
0xa9: {  	[sflag:s23] =	ssyncset.done $0x0  }
0xaa: {  	s25 =	simm.s32 $0x1B8E;
	s24 =	sld [smem:$0x3FFE];
	[sflag:s23] =	ssyncadd.s32 $0xFFFFFFFF  }
0xab: {  	s26 =	simm.s32 $execute0_lowered;
	[smem:$0x3FD2] =	sst s25  }
0xac: {  	s6 =	sshll.u32 s26, $0x1;
	_ =	strace $0x80000049;
	[dreg:$0x1] =	wrdreg $0xFFFFFFFF  }
0xad: {  	s28 =	simm.s32 $_size_execute0_lowered;
	s4 =	sadd.s32 s4, s6;
	[dreg:$0x0] =	wrdreg $0x0  }
0xae: {  	s6 =	sshll.u32 s28, $0x1;
	[dreg:$0x2] =	wrdreg s4  }
0xaf: {  	[dreg:$0x3] =	wrdreg s6  }
0xb0: {  	[dreg:$0x4] =	wrdreg $0xC0  }
0xb1: {  	_ =	task [dreg:s8], $0x5FFFF  }
0xb2: {  	[dreg:$0x1] =	wrdreg $0xFFFFFFFF  }
0xb3: {  	[dreg:$0x0] =	wrdreg $0x60  }
0xb4: {  	[dreg:$0x2] =	wrdreg s17  }
0xb5: {  	[dreg:$0x3] =	wrdreg s16  }
0xb6: {  	[dreg:$0x4] =	wrdreg s24  }
0xb7: {  	[dreg:$0x5] =	wrdreg $0x9  }
0xb8: {  	_ =	task.clear_ibuf [dreg:s8], $0x6FFFF;
	_ =	strace $0x90000049  }
0xb9: {  	s29 =	simm.s32 $0x9;
	_ =	strace $0x8000004B  }
0xba: {  	_ =	swait.ge [sflag:s29], $0x1  }
0xbb: {  	[sflag:s29] =	ssyncadd.s32 $0xFFFFFFFF  }
0xbc: {  	_ =	strace $0x9000004B  }
0xbd: {  	_ =	sfence  }
0xbe: {  	s30 =	sld [smem:$0x0];
	_ =	sdelay $0x2  }
0xbf: {  	s31 =	sshll.u32 s1, $0xD;
	s1 =	sshrl.u32 s1, $0x2  }
0xc0: {  	s3 =	sand.u32 $0x4000, s31;
	s1 =	sadd.s32 s1, s30  }
0xc1: {  	s0 =	sor.u32 s3, s0;
	s1 =	sshll.u32 s1, $0x11  }
0xc2: {  	s0 =	sor.u32 s1, s0  }
0xc3: {  	s0 =	sadd.s32 $0x8F2B, s0  }
0xc4: {  	[sflag:s0] =	ssyncadd.remote.s32 $0x1  }
0xc5: {  	_ =	sfence.sel $0xFFFF  }
0xc6: {  	[dreg:$0x0] =	wrdreg $0xFFFFFFFF;
	(pc) =	sbr.abs _section_cstart, $3  }
0xc7: {  	[dreg:$0x1] =	wrdreg $0xFFFFFFFF  }
0xc8: {  	_ =	task.clear_ibuf [dreg:s8], $0x2FFFF;
	_ =	strace $0x9FFFFFFF  }
0xc9: {  	(tm) =	ssettm $0x7FFFFFFF  }
tec
execute0_lowered:
.L_overlay_start_1:
0x0: {  	(tag) =	ssettag $0x1  }
0x1: {  	s1 =	rddreg [dreg:$0x0]  }
0x2: {  	s0 =	srdreg.scid;
	s2 =	rddreg [dreg:$0x1]  }
0x3: {  	s11 =	stileid.u32;
	s9 =	rddreg [dreg:$0x2];
	s13 =	simm.s32 $0x100  }
0x4: {  	s23 =	simm.s32 $0xF100;
	s24 =	simm.s32 $0xF900;
	s25 =	simm.s32 $0x10100  }
0x5: {  	s26 =	simm.s32 $0x10900;
	s28 =	simm.s32 $0x11100;
	s29 =	simm.s32 $0x11900  }
0x6: {  	s30 =	simm.s32 $0x12100;
	s31 =	simm.s32 $0x12900;
	s12 =	simm.s32 $0x14100  }
0x7: {  	s14 =	simm.s32 $0x14900;
	s15 =	simm.s32 $0x15100;
	s16 =	simm.s32 $0x15900  }
0x8: {  	s17 =	simm.s32 $0x16100;
	s18 =	simm.s32 $0x16900;
	s19 =	simm.s32 $0x17100  }
0x9: {  	s20 =	simm.s32 $0x17900;
	s21 =	simm.s32 $0x1;
	s0 =	sand.u32 $0x1, s0  }
0xa: {  	s3 =	sshll.u32 s11, $0x1;
	p0 =	slt.u32 s11, $0x8;
	s11 =	simm.s32 $0x2  }
0xb: {  	s6 =	sor.u32 s0, s3;
	s3 =	simm.s32 $0x0;
	s0 =	ssub.s32 $0x2, s0  }
0xc: {  	s4 =	smul.u32 $0x3000, s6;
	[smem:$0x7FF] =	sst s3;
	s5 =	sshrl.u32 s0, $0x1  }
.Ltmp0:
0xd: {  	s8 =	sshll.u32 s6, $0x7;
	s6 =	sshll.u32 s6, $0x4;
	(pc) =	sbr.rel .LBB2_1-.Ltmp0, $4  }
0xe: {  	_ =	strace $0x8000004A;
	s0 =	ssub.s32 s0, s5;
	s5 =	sadd.s32 $0xFFFFF800, s8  }
0xf: {  	v2 =	vlaneseq.u32;
	s6 =	sadd.s32 s2, s6;
	s8 =	sadd.s32 $0x2900, s9;
	s2 =	simm.s32 $0x13100  }
0x10: {  	vm0 =	vmmov $0xffff;
	v1 =	vshrl.u32 v2, $0x3;
	s7 =	sadd.s32 s4, s9;
	s4 =	sadd.s32 $0x2800, s9;
	s9 =	sadd.s32 $0x2A00, s9  }
0x11: {  	v0 =	vand.u32 $0x7, v2;
	v2 =	vor.u32 $0x8, v2;
	v1 =	vmul.u32 $0x8, v1;
	s10 =	smax.u32 s0, $0x1;
	s0 =	simm.s32 $0x13900;
	s7 =	sadd.s32 $0x62800, s7  }
.LBB2_3:
0x12: {  	s10 =	sadd.s32 $0xFFFFFFFF, s10  }
0x13: {  	p1 =	sne.s32 s10, $0x0  }
.Ltmp1:
0x14: {  	_ = 	snop;
	(pc) =	sbr.rel @!p1 .LBB2_4-.Ltmp1, $1  }
0x15: {  	_ =	sdelay $0x3  }
.LBB2_1:
0x16: {  	[tilespmem:s3], [sflag:$0x2] =	stream.linear.gather [hbm4b:s1+s3], $0x80, $0x38;
	[tilespmem:$0x18100] =	vst v63  }
0x17: {  	_ =	swait.ge [sflag:s11], $0x80  }
0x18: {  	[sflag:s11] =	ssyncset.done $0x0  }
0x19: {  	[sflag:s11] =	ssyncadd.s32 $0xFFFFFF80  }
0x1a: {  	v3 =	vld [tilespmem:$0x0];
	_ =	sdelay $0x4  }
0x1b: {  	v3 =	vxor.u32 $0x80000000, v3  }
0x1c: {  	(xrf0) =	vmax.scan.msk.u32 $0xffff, v3;
	_ =	sdelay $0x5  }
0x1d: {  	v3, _, _ =	vpop (xrf0)  }
0x1e: {  	(v2sf) =	vpush v3, $0xF;
	_ =	sdelay $0xe  }
0x1f: {  	s22 =	spop (v2sf)  }
0x20: {  	s22 =	sxor.u32 $0x80000000, s22  }
0x21: {  	p1 =	sge.s32 @!p0 s5, s22  }
0x22: {  	p1 =	por p0, !p1  }
.Ltmp2:
0x23: {  	_ = 	snop;
	(pc) =	sbr.rel @!p1 .LBB2_3-.Ltmp2, $1  }
0x24: {  	_ =	sdelay $0x3  }
0x25: {  	s22 =	simm.s32 $0x80  }
0x26: {  	[tilespmem:s22], [sflag:$0x2] =	stream.linear.gather [hbm4b:s6+s3], $0x80, $0x38;
	[tilespmem:$0x18100] =	vst v63  }
0x27: {  	_ =	swait.ge [sflag:s11], $0x80  }
0x28: {  	[sflag:s11] =	ssyncset.done $0x0  }
0x29: {  	[sflag:s11] =	ssyncadd.s32 $0xFFFFFF80  }
0x2a: {  	[tilespmem:s13], [sflag:$0x2] =	stream.linear.gather [hbm4b:s7+s3], $0x18000, $0x38;
	[tilespmem:$0x18100] =	vst v63  }
0x2b: {  	_ =	swait.ge [sflag:s11], $0x18000  }
0x2c: {  	[sflag:s11] =	ssyncset.done $0x0  }
0x2d: {  	[sflag:s11] =	ssyncadd.s32 $0xFFFE8000  }
0x2e: {  	v3 =	vld [tilespmem:$0x80];
	_ =	sdelay $0x4  }
0x2f: {  	v4 =	vshrl.u32 v3, $0x3  }
0x30: {  	v4 =	vmul.u32 $0x30, v4  }
0x31: {  	v3 =	vand.u32 $0x7, v3  }
0x32: {  	v3 =	vor.u32 v3, v4  }
0x33: {  	v4 =	vperm.xlane v3, v0;
	_ =	sdelay $0x1  }
0x34: {  	v4 =	vadd.s32 v1, v4;
	_ =	sdelay $0x3  }
0x35: {  	v3 =	vperm.xlane v3, v2  }
0x36: {  	[hbm4b:s4+s3] =	stream.indirect_vreg.scatter [tilespmem:s13], [sflag:$0x1], $0x80, v4, vm0, $0xb8;
	[tilespmem:$0x18100] =	vst v63  }
0x37: {  	s22 =	simm.s32 $0x900;
	v3 =	vadd.s32 v1, v3  }
0x38: {  	[hbm4b:s8+s3] =	stream.indirect_vreg.scatter [tilespmem:s22], [sflag:$0x1], $0x80, v4, vm0, $0xb8;
	[tilespmem:$0x18100] =	vst v63  }
0x39: {  	s22 =	simm.s32 $0x1100  }
0x3a: {  	[hbm4b:s9+s3] =	stream.indirect_vreg.scatter [tilespmem:s22], [sflag:$0x1], $0x80, v4, vm0, $0xb8;
	[tilespmem:$0x18100] =	vst v63  }
0x3b: {  	s22 =	simm.s32 $0x1900  }
0x3c: {  	[hbm4b:s4+s3] =	stream.indirect_vreg.scatter [tilespmem:s22], [sflag:$0x1], $0x80, v3, vm0, $0xb8;
	[tilespmem:$0x18100] =	vst v63  }
0x3d: {  	s22 =	simm.s32 $0x2100  }
0x3e: {  	[hbm4b:s8+s3] =	stream.indirect_vreg.scatter [tilespmem:s22], [sflag:$0x1], $0x80, v3, vm0, $0xb8;
	[tilespmem:$0x18100] =	vst v63  }
0x3f: {  	s22 =	simm.s32 $0x2900  }
0x40: {  	[hbm4b:s9+s3] =	stream.indirect_vreg.scatter [tilespmem:s22], [sflag:$0x1], $0x80, v3, vm0, $0xb8;
	[tilespmem:$0x18100] =	vst v63  }
0x41: {  	v3 =	vld [tilespmem:$0x90];
	_ =	sdelay $0x4  }
0x42: {  	v57 =	vshrl.u32 v3, $0x3  }
0x43: {  	v4 =	vmul.u32 $0x30, v57  }
0x44: {  	v3 =	vand.u32 $0x7, v3  }
0x45: {  	v3 =	vor.u32 v3, v4  }
0x46: {  	v4 =	vperm.xlane v3, v0;
	_ =	sdelay $0x1  }
0x47: {  	v4 =	vadd.s32 v1, v4;
	_ =	sdelay $0x3  }
0x48: {  	s22 =	simm.s32 $0x3100;
	v3 =	vperm.xlane v3, v2  }
0x49: {  	[hbm4b:s4+s3] =	stream.indirect_vreg.scatter [tilespmem:s22], [sflag:$0x1], $0x80, v4, vm0, $0xb8;
	[tilespmem:$0x18100] =	vst v63  }
0x4a: {  	v3 =	vadd.s32 v1, v3;
	s22 =	simm.s32 $0x3900  }
0x4b: {  	[hbm4b:s8+s3] =	stream.indirect_vreg.scatter [tilespmem:s22], [sflag:$0x1], $0x80, v4, vm0, $0xb8;
	[tilespmem:$0x18100] =	vst v63  }
0x4c: {  	s22 =	simm.s32 $0x4100  }
0x4d: {  	[hbm4b:s9+s3] =	stream.indirect_vreg.scatter [tilespmem:s22], [sflag:$0x1], $0x80, v4, vm0, $0xb8;
	[tilespmem:$0x18100] =	vst v63  }
0x4e: {  	s22 =	simm.s32 $0x4900  }
0x4f: {  	[hbm4b:s4+s3] =	stream.indirect_vreg.scatter [tilespmem:s22], [sflag:$0x1], $0x80, v3, vm0, $0xb8;
	[tilespmem:$0x18100] =	vst v63  }
0x50: {  	s22 =	simm.s32 $0x5100  }
0x51: {  	[hbm4b:s8+s3] =	stream.indirect_vreg.scatter [tilespmem:s22], [sflag:$0x1], $0x80, v3, vm0, $0xb8;
	[tilespmem:$0x18100] =	vst v63  }
0x52: {  	s22 =	simm.s32 $0x5900  }
0x53: {  	[hbm4b:s9+s3] =	stream.indirect_vreg.scatter [tilespmem:s22], [sflag:$0x1], $0x80, v3, vm0, $0xb8;
	[tilespmem:$0x18100] =	vst v63  }
0x54: {  	v3 =	vld [tilespmem:$0xA0];
	_ =	sdelay $0x4  }
0x55: {  	v58 =	vshrl.u32 v3, $0x3  }
0x56: {  	v4 =	vmul.u32 $0x30, v58  }
0x57: {  	v3 =	vand.u32 $0x7, v3  }
0x58: {  	v3 =	vor.u32 v3, v4  }
0x59: {  	v4 =	vperm.xlane v3, v0;
	_ =	sdelay $0x1  }
0x5a: {  	v4 =	vadd.s32 v1, v4;
	_ =	sdelay $0x3  }
0x5b: {  	s22 =	simm.s32 $0x6100;
	v3 =	vperm.xlane v3, v2  }
0x5c: {  	[hbm4b:s4+s3] =	stream.indirect_vreg.scatter [tilespmem:s22], [sflag:$0x1], $0x80, v4, vm0, $0xb8;
	[tilespmem:$0x18100] =	vst v63  }
0x5d: {  	v3 =	vadd.s32 v1, v3;
	s22 =	simm.s32 $0x6900  }
0x5e: {  	[hbm4b:s8+s3] =	stream.indirect_vreg.scatter [tilespmem:s22], [sflag:$0x1], $0x80, v4, vm0, $0xb8;
	[tilespmem:$0x18100] =	vst v63  }
0x5f: {  	s22 =	simm.s32 $0x7100  }
0x60: {  	[hbm4b:s9+s3] =	stream.indirect_vreg.scatter [tilespmem:s22], [sflag:$0x1], $0x80, v4, vm0, $0xb8;
	[tilespmem:$0x18100] =	vst v63  }
0x61: {  	s22 =	simm.s32 $0x7900  }
0x62: {  	[hbm4b:s4+s3] =	stream.indirect_vreg.scatter [tilespmem:s22], [sflag:$0x1], $0x80, v3, vm0, $0xb8;
	[tilespmem:$0x18100] =	vst v63  }
0x63: {  	s22 =	simm.s32 $0x8100  }
0x64: {  	[hbm4b:s8+s3] =	stream.indirect_vreg.scatter [tilespmem:s22], [sflag:$0x1], $0x80, v3, vm0, $0xb8;
	[tilespmem:$0x18100] =	vst v63  }
0x65: {  	s22 =	simm.s32 $0x8900  }
0x66: {  	[hbm4b:s9+s3] =	stream.indirect_vreg.scatter [tilespmem:s22], [sflag:$0x1], $0x80, v3, vm0, $0xb8;
	[tilespmem:$0x18100] =	vst v63  }
0x67: {  	v3 =	vld [tilespmem:$0xB0];
	_ =	sdelay $0x4  }
0x68: {  	v59 =	vshrl.u32 v3, $0x3  }
0x69: {  	v4 =	vmul.u32 $0x30, v59  }
0x6a: {  	v3 =	vand.u32 $0x7, v3  }
0x6b: {  	v3 =	vor.u32 v3, v4  }
0x6c: {  	v4 =	vperm.xlane v3, v0;
	_ =	sdelay $0x1  }
0x6d: {  	v4 =	vadd.s32 v1, v4;
	_ =	sdelay $0x3  }
0x6e: {  	s22 =	simm.s32 $0x9100;
	v3 =	vperm.xlane v3, v2  }
0x6f: {  	[hbm4b:s4+s3] =	stream.indirect_vreg.scatter [tilespmem:s22], [sflag:$0x1], $0x80, v4, vm0, $0xb8;
	[tilespmem:$0x18100] =	vst v63  }
0x70: {  	v3 =	vadd.s32 v1, v3;
	s22 =	simm.s32 $0x9900  }
0x71: {  	[hbm4b:s8+s3] =	stream.indirect_vreg.scatter [tilespmem:s22], [sflag:$0x1], $0x80, v4, vm0, $0xb8;
	[tilespmem:$0x18100] =	vst v63  }
0x72: {  	s22 =	simm.s32 $0xA100  }
0x73: {  	[hbm4b:s9+s3] =	stream.indirect_vreg.scatter [tilespmem:s22], [sflag:$0x1], $0x80, v4, vm0, $0xb8;
	[tilespmem:$0x18100] =	vst v63  }
0x74: {  	s22 =	simm.s32 $0xA900  }
0x75: {  	[hbm4b:s4+s3] =	stream.indirect_vreg.scatter [tilespmem:s22], [sflag:$0x1], $0x80, v3, vm0, $0xb8;
	[tilespmem:$0x18100] =	vst v63  }
0x76: {  	s22 =	simm.s32 $0xB100  }
0x77: {  	[hbm4b:s8+s3] =	stream.indirect_vreg.scatter [tilespmem:s22], [sflag:$0x1], $0x80, v3, vm0, $0xb8;
	[tilespmem:$0x18100] =	vst v63  }
0x78: {  	s22 =	simm.s32 $0xB900  }
0x79: {  	[hbm4b:s9+s3] =	stream.indirect_vreg.scatter [tilespmem:s22], [sflag:$0x1], $0x80, v3, vm0, $0xb8;
	[tilespmem:$0x18100] =	vst v63  }
0x7a: {  	v3 =	vld [tilespmem:$0xC0];
	_ =	sdelay $0x4  }
0x7b: {  	v60 =	vshrl.u32 v3, $0x3  }
0x7c: {  	v4 =	vmul.u32 $0x30, v60  }
0x7d: {  	v3 =	vand.u32 $0x7, v3  }
0x7e: {  	v3 =	vor.u32 v3, v4  }
0x7f: {  	v4 =	vperm.xlane v3, v0;
	_ =	sdelay $0x1  }
0x80: {  	v4 =	vadd.s32 v1, v4;
	_ =	sdelay $0x3  }
0x81: {  	s22 =	simm.s32 $0xC100;
	v3 =	vperm.xlane v3, v2  }
0x82: {  	[hbm4b:s4+s3] =	stream.indirect_vreg.scatter [tilespmem:s22], [sflag:$0x1], $0x80, v4, vm0, $0xb8;
	[tilespmem:$0x18100] =	vst v63  }
0x83: {  	v3 =	vadd.s32 v1, v3;
	s22 =	simm.s32 $0xC900  }
0x84: {  	[hbm4b:s8+s3] =	stream.indirect_vreg.scatter [tilespmem:s22], [sflag:$0x1], $0x80, v4, vm0, $0xb8;
	[tilespmem:$0x18100] =	vst v63  }
0x85: {  	s22 =	simm.s32 $0xD100  }
0x86: {  	[hbm4b:s9+s3] =	stream.indirect_vreg.scatter [tilespmem:s22], [sflag:$0x1], $0x80, v4, vm0, $0xb8;
	[tilespmem:$0x18100] =	vst v63  }
0x87: {  	s22 =	simm.s32 $0xD900  }
0x88: {  	[hbm4b:s4+s3] =	stream.indirect_vreg.scatter [tilespmem:s22], [sflag:$0x1], $0x80, v3, vm0, $0xb8;
	[tilespmem:$0x18100] =	vst v63  }
0x89: {  	s22 =	simm.s32 $0xE100  }
0x8a: {  	[hbm4b:s8+s3] =	stream.indirect_vreg.scatter [tilespmem:s22], [sflag:$0x1], $0x80, v3, vm0, $0xb8;
	[tilespmem:$0x18100] =	vst v63  }
0x8b: {  	s22 =	simm.s32 $0xE900  }
0x8c: {  	[hbm4b:s9+s3] =	stream.indirect_vreg.scatter [tilespmem:s22], [sflag:$0x1], $0x80, v3, vm0, $0xb8;
	[tilespmem:$0x18100] =	vst v63  }
0x8d: {  	v3 =	vld [tilespmem:$0xD0];
	_ =	sdelay $0x4  }
0x8e: {  	v61 =	vshrl.u32 v3, $0x3  }
0x8f: {  	v4 =	vmul.u32 $0x30, v61  }
0x90: {  	v3 =	vand.u32 $0x7, v3  }
0x91: {  	v3 =	vor.u32 v3, v4  }
0x92: {  	v4 =	vperm.xlane v3, v0;
	_ =	sdelay $0x1  }
0x93: {  	v4 =	vadd.s32 v1, v4;
	_ =	sdelay $0x3  }
0x94: {  	v3 =	vperm.xlane v3, v2  }
0x95: {  	[hbm4b:s4+s3] =	stream.indirect_vreg.scatter [tilespmem:s23], [sflag:$0x1], $0x80, v4, vm0, $0xb8;
	[tilespmem:$0x18100] =	vst v63  }
0x96: {  	v3 =	vadd.s32 v1, v3  }
0x97: {  	[hbm4b:s8+s3] =	stream.indirect_vreg.scatter [tilespmem:s24], [sflag:$0x1], $0x80, v4, vm0, $0xb8;
	[tilespmem:$0x18100] =	vst v63  }
0x98: {  	_ = 	snop  }
0x99: {  	[hbm4b:s9+s3] =	stream.indirect_vreg.scatter [tilespmem:s25], [sflag:$0x1], $0x80, v4, vm0, $0xb8;
	[tilespmem:$0x18100] =	vst v63  }
0x9a: {  	_ = 	snop  }
0x9b: {  	[hbm4b:s4+s3] =	stream.indirect_vreg.scatter [tilespmem:s26], [sflag:$0x1], $0x80, v3, vm0, $0xb8;
	[tilespmem:$0x18100] =	vst v63  }
0x9c: {  	_ = 	snop  }
0x9d: {  	[hbm4b:s8+s3] =	stream.indirect_vreg.scatter [tilespmem:s28], [sflag:$0x1], $0x80, v3, vm0, $0xb8;
	[tilespmem:$0x18100] =	vst v63  }
0x9e: {  	_ = 	snop  }
0x9f: {  	[hbm4b:s9+s3] =	stream.indirect_vreg.scatter [tilespmem:s29], [sflag:$0x1], $0x80, v3, vm0, $0xb8;
	[tilespmem:$0x18100] =	vst v63  }
0xa0: {  	v3 =	vld [tilespmem:$0xE0];
	_ =	sdelay $0x4  }
0xa1: {  	v62 =	vshrl.u32 v3, $0x3  }
0xa2: {  	v4 =	vmul.u32 $0x30, v62  }
0xa3: {  	v3 =	vand.u32 $0x7, v3  }
0xa4: {  	v3 =	vor.u32 v3, v4  }
0xa5: {  	v4 =	vperm.xlane v3, v0;
	_ =	sdelay $0x1  }
0xa6: {  	v4 =	vadd.s32 v1, v4;
	_ =	sdelay $0x3  }
0xa7: {  	v3 =	vperm.xlane v3, v2  }
0xa8: {  	[hbm4b:s4+s3] =	stream.indirect_vreg.scatter [tilespmem:s30], [sflag:$0x1], $0x80, v4, vm0, $0xb8;
	[tilespmem:$0x18100] =	vst v63  }
0xa9: {  	v3 =	vadd.s32 v1, v3  }
0xaa: {  	[hbm4b:s8+s3] =	stream.indirect_vreg.scatter [tilespmem:s31], [sflag:$0x1], $0x80, v4, vm0, $0xb8;
	[tilespmem:$0x18100] =	vst v63  }
0xab: {  	_ = 	snop  }
0xac: {  	[hbm4b:s9+s3] =	stream.indirect_vreg.scatter [tilespmem:s2], [sflag:$0x1], $0x80, v4, vm0, $0xb8;
	[tilespmem:$0x18100] =	vst v63  }
0xad: {  	_ = 	snop  }
0xae: {  	[hbm4b:s4+s3] =	stream.indirect_vreg.scatter [tilespmem:s0], [sflag:$0x1], $0x80, v3, vm0, $0xb8;
	[tilespmem:$0x18100] =	vst v63  }
0xaf: {  	_ = 	snop  }
0xb0: {  	[hbm4b:s8+s3] =	stream.indirect_vreg.scatter [tilespmem:s12], [sflag:$0x1], $0x80, v3, vm0, $0xb8;
	[tilespmem:$0x18100] =	vst v63  }
0xb1: {  	_ = 	snop  }
0xb2: {  	[hbm4b:s9+s3] =	stream.indirect_vreg.scatter [tilespmem:s14], [sflag:$0x1], $0x80, v3, vm0, $0xb8;
	[tilespmem:$0x18100] =	vst v63  }
0xb3: {  	v3 =	vld [tilespmem:$0xF0];
	_ =	sdelay $0x4  }
0xb4: {  	v63 =	vshrl.u32 v3, $0x3  }
0xb5: {  	v4 =	vmul.u32 $0x30, v63  }
0xb6: {  	v3 =	vand.u32 $0x7, v3  }
0xb7: {  	v3 =	vor.u32 v3, v4  }
0xb8: {  	v4 =	vperm.xlane v3, v0;
	_ =	sdelay $0x1  }
0xb9: {  	v4 =	vadd.s32 v1, v4;
	_ =	sdelay $0x3  }
0xba: {  	v3 =	vperm.xlane v3, v2  }
0xbb: {  	[hbm4b:s4+s3] =	stream.indirect_vreg.scatter [tilespmem:s15], [sflag:$0x1], $0x80, v4, vm0, $0xb8;
	[tilespmem:$0x18100] =	vst v63  }
0xbc: {  	v3 =	vadd.s32 v1, v3  }
0xbd: {  	[hbm4b:s8+s3] =	stream.indirect_vreg.scatter [tilespmem:s16], [sflag:$0x1], $0x80, v4, vm0, $0xb8;
	[tilespmem:$0x18100] =	vst v63  }
0xbe: {  	_ = 	snop  }
0xbf: {  	[hbm4b:s9+s3] =	stream.indirect_vreg.scatter [tilespmem:s17], [sflag:$0x1], $0x80, v4, vm0, $0xb8;
	[tilespmem:$0x18100] =	vst v63  }
0xc0: {  	_ = 	snop  }
0xc1: {  	[hbm4b:s4+s3] =	stream.indirect_vreg.scatter [tilespmem:s18], [sflag:$0x1], $0x80, v3, vm0, $0xb8;
	[tilespmem:$0x18100] =	vst v63  }
0xc2: {  	_ = 	snop  }
0xc3: {  	[hbm4b:s8+s3] =	stream.indirect_vreg.scatter [tilespmem:s19], [sflag:$0x1], $0x80, v3, vm0, $0xb8;
	[tilespmem:$0x18100] =	vst v63  }
.Ltmp3:
0xc4: {  	_ = 	snop;
	(pc) =	sbr.rel .LBB2_3-.Ltmp3, $4  }
0xc5: {  	[hbm4b:s9+s3] =	stream.indirect_vreg.scatter [tilespmem:s20], [sflag:$0x1], $0x80, v3, vm0, $0xb8;
	[tilespmem:$0x18100] =	vst v63  }
0xc6: {  	_ =	swait.ge [sflag:s21], $0x18000  }
0xc7: {  	[sflag:s21] =	ssyncset.done $0x0  }
0xc8: {  	[sflag:s21] =	ssyncadd.s32 $0xFFFE8000  }
.LBB2_4:
0xc9: {  	_ =	sfence.sel $0x180000  }
0xca: {  	[bflag:$0x0] =	sbarrier.arrive $0xFFFF  }
0xcb: {  	_ =	strace $0x9000004A  }
0xcc: {  	s0 =	stileid.u32;
	[bflag:$0x2] =	sbarrier.arrive $0xFFFF  }
0xcd: {  	p0 =	sne.s32 s0, $0x0;
	s0 =	rddreg [dreg:$0x3]  }
0xce: {  	s0 =	sadd.s32 @!p0 $0x100000, s0  }
0xcf: {  	[sflag:s0] =	ssyncadd.tile.s32 @!p0 $0x1;
	_ =	shalt  }
.Lfunc_end2:
_tile_overlayer_lowered:
.L_overlay_start_2:
0xd0: {  	(tag) =	ssettag $0x2  }
0xd1: {  	s0 =	rddreg [dreg:$0x0];
	s2 =	stileid.u32  }
0xd2: {  	s1 =	rddreg [dreg:$0x1];
	p0 =	sne.s32 s2, $0x0  }
0xd3: {  	s3 =	rddreg [dreg:$0x2];
	[bflag:$0x3] =	sbarrier.arrive $0xFFFF;
	s2 =	simm.s32 @!p0 $0x1C02  }
0xd4: {  	[timem:s3], [sflag:s2] =	dma.local @!p0 [hbm:s0], s1  }
0xd5: {  	s0 =	simm.s32 @!p0 $0x2  }
0xd6: {  	_ =	swait.ge @!p0 [sflag:s0], s1  }
0xd7: {  	s1 =	ssub.s32 @!p0 $0x0, s1;
	[sflag:s0] =	ssyncset.done @!p0 $0x0  }
0xd8: {  	[sflag:s0] =	ssyncadd.s32 @!p0 s1  }
0xd9: {  	[bflag:$0x3] =	sbarrier.arrive $0xFFFF  }
0xda: {  	_ =	shalt  }

</sc_bundles>
